<compile_context>
chip_gen: v7x
topology: tpu7x:2x2x1
jax: 0.10.2.dev20260603
libtpu: 0.0.44.dev20260713+nightly
codegen_flags: <defaults>
</compile_context>

<pallas_src>
import functools

import jax
import jax.numpy as jnp
from jax import lax
from jax.experimental import pallas as pl
from jax.experimental.pallas import tpu as pltpu
from jax.experimental.pallas import tpu_sc as plsc

_L = 12
_P = 100
_LEN = 5
_D = 768
_K = 5
_B = 32
_S = 2048

_G = 32
_OFFW = _L * _G
_ROWS = _K * _LEN

_NEG = -3.0e38


def _mean_body(x_ref, m_ref):
    xb = x_ref[0]
    m_ref[...] = (jnp.sum(xb, axis=0, keepdims=True)
                  * (1.0 / _S)).reshape(1, 1, _D)


_mean_call = pl.pallas_call(
    _mean_body,
    grid=(_B,),
    in_specs=[pl.BlockSpec((1, _S, _D), lambda b: (b, 0, 0))],
    out_specs=pl.BlockSpec((1, 1, _D), lambda b: (b, 0, 0)),
    out_shape=jax.ShapeDtypeStruct((_B, 1, _D), jnp.float32),
    compiler_params=pltpu.CompilerParams(
        dimension_semantics=("parallel",)),
)


def _route_body(m_ref, sk_ref, tk_ref,
                s_sim_ref, t_sim_ref, s_idx_ref, t_idx_ref,
                s_off_ref, s_red_ref, t_red_ref):
    mean = m_ref[...].reshape(_B, _D)
    n2 = jnp.sum(mean * mean, axis=1, keepdims=True)
    xn = mean * lax.rsqrt(jnp.maximum(n2, 1e-12))

    ii = lax.broadcasted_iota(jnp.int32, (_B, _P), 1)
    ii5 = lax.broadcasted_iota(jnp.int32, (_B, _K), 1)
    pos = lax.broadcasted_iota(jnp.int32, (_B, _OFFW), 1)
    lfield = pos // _G
    rem = pos - lfield * _G
    kfield = rem // _LEN
    jfield = rem - kfield * _LEN

    def route(k_ref, sim_ref, idx_ref, off_ref, red_ref):
        kk = k_ref[...]
        kn2 = jnp.sum(kk * kk, axis=1, keepdims=True)
        kn = kk * lax.rsqrt(jnp.maximum(kn2, 1e-12))
        sim = lax.dot_general(xn, kn, (((1,), (1,)), ((), ())),
                              preferred_element_type=jnp.float32)
        sim_ref[...] = sim
        row = sim
        racc = jnp.zeros((_B, 1), jnp.float32)
        ivec = jnp.zeros((_B, _K), jnp.int32)
        isel = jnp.zeros((_B, _OFFW), jnp.int32)
        for k in range(_K):
            mx = jnp.max(row, axis=1, keepdims=True)
            am = jnp.min(jnp.where(row == mx, ii, _P),
                         axis=1, keepdims=True)
            ivec = jnp.where(ii5 == k, am, ivec)
            if off_ref is not None:
                isel = jnp.where(kfield == k, am, isel)
            racc = racc + mx
            row = jnp.where(ii == am, _NEG, row)
        idx_ref[...] = ivec
        if off_ref is not None:
            off_ref[...] = lfield * (_P * _LEN) + isel * _LEN + jfield
        red_ref[...] = jnp.sum(racc, keepdims=True) * (1.0 / _B)

    route(sk_ref, s_sim_ref, s_idx_ref, s_off_ref, s_red_ref)
    route(tk_ref, t_sim_ref, t_idx_ref, None, t_red_ref)


_route_call = pl.pallas_call(
    _route_body,
    out_shape=[
        jax.ShapeDtypeStruct((_B, _P), jnp.float32),
        jax.ShapeDtypeStruct((_B, _P), jnp.float32),
        jax.ShapeDtypeStruct((_B, _K), jnp.int32),
        jax.ShapeDtypeStruct((_B, _K), jnp.int32),
        jax.ShapeDtypeStruct((_B, _OFFW), jnp.int32),
        jax.ShapeDtypeStruct((1, 1), jnp.float32),
        jax.ShapeDtypeStruct((1, 1), jnp.float32),
    ],
)

_NC = 2
_NS = 16
_NW = _NC * _NS


@functools.cache
def _make_sc_gather():
    mesh = plsc.VectorSubcoreMesh(core_axis_name="c", subcore_axis_name="s",
                                  num_cores=_NC, num_subcores=_NS)

    @functools.partial(
        pl.kernel, mesh=mesh,
        out_type=jax.ShapeDtypeStruct((_L * _B, _G, _D), jnp.float32),
        scratch_types=[
            pltpu.VMEM((_OFFW,), jnp.int32),
            pltpu.VMEM((_G, _D), jnp.float32),
            pltpu.VMEM((_G, _D), jnp.float32),
            pltpu.SemaphoreType.DMA,
            pltpu.SemaphoreType.DMA,
        ],
    )
    def _sc_gather(tab, off_hbm, out, off_v, buf_a, buf_b, sem_a, sem_b):
        b = lax.axis_index("s") * _NC + lax.axis_index("c")

        bufs = (buf_a, buf_b)
        sems = (sem_a, sem_b)

        pltpu.sync_copy(off_hbm.at[b], off_v)
        hs = [None] * _L
        hs[0] = pltpu.async_copy(tab.at[off_v.at[pl.ds(0, _G)]],
                                 bufs[0], sems[0])
        for lyr in range(_L):
            nxt = lyr + 1
            if nxt < _L:
                hs[nxt] = pltpu.async_copy(
                    tab.at[off_v.at[pl.ds(nxt * _G, _G)]],
                    bufs[nxt % 2], sems[nxt % 2])
            hs[lyr].wait()
            pltpu.sync_copy(bufs[lyr % 2], out.at[lyr * _B + b])

    return _sc_gather


def _tgather_body(idx_ref, p0_ref, p1_ref, p2_ref, p3_ref, p4_ref, o_ref):
    del idx_ref
    for k, p_ref in enumerate((p0_ref, p1_ref, p2_ref, p3_ref, p4_ref)):
        o_ref[0, 0, pl.ds(_LEN * k, _LEN), :] = p_ref[0, 0]


def _tg_in_spec(k):
    return pl.BlockSpec((1, 1, _LEN, _D),
                        lambda l, b, idx, k=k: (l, idx[b, k], 0, 0))


_tgather_call = pl.pallas_call(
    _tgather_body,
    grid_spec=pltpu.PrefetchScalarGridSpec(
        num_scalar_prefetch=1,
        grid=(_L, _B),
        in_specs=[_tg_in_spec(k) for k in range(_K)],
        out_specs=pl.BlockSpec((1, 1, _ROWS, _D), lambda l, b, idx: (l, b, 0, 0)),
    ),
    out_shape=jax.ShapeDtypeStruct((_L, _B, _ROWS, _D), jnp.float32),
)


def kernel(x_embed, s_prompt, t_prompt, s_prompt_key, t_prompt_key):
    mean = _mean_call(x_embed)
    (s_sim, t_sim, s_idx, t_idx, s_off, s_red, t_red) = _route_call(
        mean, s_prompt_key, t_prompt_key)
    s_sc = _make_sc_gather()(s_prompt.reshape(_L * _P * _LEN, _D), s_off)
    t_batched = _tgather_call(t_idx, t_prompt, t_prompt, t_prompt,
                              t_prompt, t_prompt)
    s_batched = s_sc.reshape(_L, _B, _G, _D)[:, :, :_ROWS, :]
    return (s_sim, t_sim, s_idx, t_idx, s_batched, t_batched,
            s_red.reshape(()), t_red.reshape(()))

# --- scband reference (transcript-rebuilt; emitter-appended) ---
"""Pipeline reference for scband-sprompt-mul-86723979641560 (READ-ONLY COPY).

The authoritative reference and input builder live on the scoring server;
editing this copy changes nothing except your own understanding.
"""

import jax, jax.numpy as jnp
import numpy as np

NUM_LAYERS = 12
POOL = 100
LENGTH = 5
D = 768
TOPK = 5
B = 32
S = 2048

def _l2_normalize(x, axis=-1, eps=1e-12):
    sq = jnp.sum(x * x, axis=axis, keepdims=True)
    return x * jax.lax.rsqrt(jnp.maximum(sq, eps))

def setup_inputs(seed: int = 0):
    key = jax.random.key(seed)
    k1, k2, k3, k4, k5 = jax.random.split(key, 5)
    x_embed = jax.random.normal(k1, (B, S, D), dtype=jnp.float32)
    s_prompt = jax.random.uniform(k2, (NUM_LAYERS, POOL, LENGTH, D), minval=-1.0, maxval=1.0, dtype=jnp.float32)
    t_prompt = jax.random.uniform(k3, (NUM_LAYERS, POOL, LENGTH, D), minval=-1.0, maxval=1.0, dtype=jnp.float32)
    s_prompt_key = jax.random.uniform(k4, (POOL, D), minval=-1.0, maxval=1.0, dtype=jnp.float32)
    t_prompt_key = jax.random.uniform(k5, (POOL, D), minval=-1.0, maxval=1.0, dtype=jnp.float32)
    return {"x_embed": x_embed, "s_prompt": s_prompt, "t_prompt": t_prompt, "s_prompt_key": s_prompt_key, "t_prompt_key": t_prompt_key}

def reference(x_embed, s_prompt, t_prompt, s_prompt_key, t_prompt_key):
    # embedding_key == 'mean'
    x_embed_mean = jnp.mean(x_embed, axis=1)
    s_key_norm = _l2_normalize(s_prompt_key, axis=-1)
    t_key_norm = _l2_normalize(t_prompt_key, axis=-1)
    x_embed_norm = _l2_normalize(x_embed_mean, axis=-1)
    s_similarity = jnp.matmul(s_key_norm, x_embed_norm.T).T  # (B, POOL)
    t_similarity = jnp.matmul(t_key_norm, x_embed_norm.T).T  # (B, POOL)
    s_sim_top_k, s_idx = jax.lax.top_k(s_similarity, TOPK)
    t_sim_top_k, t_idx = jax.lax.top_k(t_similarity, TOPK)
    # non-prefix-tune branch: gather prompts from pool
    s_batched = jnp.take(s_prompt, s_idx, axis=1)  # (L, B, K, LENGTH, D)
    Lz, Bz, Kz, Lenz, Dz = s_batched.shape
    s_batched = s_batched.reshape(Lz, Bz, Kz * Lenz, Dz)
    t_batched = jnp.take(t_prompt, t_idx, axis=1)
    t_batched = t_batched.reshape(Lz, Bz, Kz * Lenz, Dz)
    # pull-constraint reduce_sim (L2P-style)
    s_batched_key_norm = s_key_norm[s_idx]  # (B, K, D)
    t_batched_key_norm = t_key_norm[t_idx]
    s_reduce_sim = jnp.sum(s_batched_key_norm * x_embed_norm[:, None, :]) / x_embed.shape[0]
    t_reduce_sim = jnp.sum(t_batched_key_norm * x_embed_norm[:, None, :]) / x_embed.shape[0]
    return (s_similarity, t_similarity, s_idx, t_idx, s_batched, t_batched, s_reduce_sim, t_reduce_sim)

if __name__ == "__main__":
    import jax
    _d = setup_inputs()
    print(jax.jit(kernel)(*tuple(_d.values())))

</pallas_src>

<mosaic_0001>
#map = affine_map<(d0, d1) -> (0, 0)>
#map1 = affine_map<(d0, d1) -> (0, 0, 0)>
module attributes {stable_mosaic.version = 14 : i64} {
  func.func @_sc_gather(%arg0: i32, %arg1: i32, %arg2: memref<6000x768xf32, #tpu.memory_space<hbm>>, %arg3: memref<32x384xi32, #tpu.memory_space<hbm>>, %arg4: memref<384x32x768xf32, #tpu.memory_space<hbm>>, %arg5: memref<384xi32, #tpu.memory_space<vmem>>, %arg6: memref<32x768xf32, #tpu.memory_space<vmem>>, %arg7: memref<32x768xf32, #tpu.memory_space<vmem>>, %arg8: memref<!tpu.dma_semaphore, #tpu.memory_space<semaphore_mem>>, %arg9: memref<!tpu.dma_semaphore, #tpu.memory_space<semaphore_mem>>) attributes {dimension_semantics = [#tpu.dimension_semantics<core_parallel>, #tpu.dimension_semantics<subcore_parallel>], iteration_bounds = array<i64: 2, 16>, scalar_prefetch = 0 : i64, scratch_operands = 5 : i64, tpu.core_type = #tpu.core_type<sc_vector_subcore>, window_params = [{transform_indices = #map}, {transform_indices = #map}, {transform_indices = #map1}]} {
    %mul3A = arith.constant 2 : i32
    %mul3A_0 = arith.muli %arg1, %mul3A : i32
    %add3A = arith.addi %mul3A_0, %arg0 : i32
    "tpu.region"() ({
      %run_scoped3A = tpu.sem_alloc : memref<!tpu.dma_semaphore, #tpu.memory_space<semaphore_mem>>
      %dma_start3A_143 = arith.constant 0 : i32
      %dma_start3A_144 = tpu.memref_slice %arg3[%add3A, %dma_start3A_143] : memref<32x384xi32, #tpu.memory_space<hbm>> -> memref<1x384xi32, #tpu.memory_space<hbm>>
      %dma_start3A_145 = tpu.memref_squeeze %dma_start3A_144 : memref<1x384xi32, #tpu.memory_space<hbm>> -> memref<384xi32, #tpu.memory_space<hbm>>
      %dma_start3A_146 = arith.constant 0 : i32
      %dma_start3A_147 = tpu.memref_slice %arg3[%add3A, %dma_start3A_146] : memref<32x384xi32, #tpu.memory_space<hbm>> -> memref<1x384xi32, #tpu.memory_space<hbm>>
      %dma_start3A_148 = tpu.memref_squeeze %dma_start3A_147 : memref<1x384xi32, #tpu.memory_space<hbm>> -> memref<384xi32, #tpu.memory_space<hbm>>
      tpu.enqueue_dma source(%dma_start3A_148 : memref<384xi32, #tpu.memory_space<hbm>>) target(%arg5 : memref<384xi32, #tpu.memory_space<vmem>>) target_semaphore(%run_scoped3A : memref<!tpu.dma_semaphore, #tpu.memory_space<semaphore_mem>>)
      %dma_wait3A_149 = arith.constant 0 : i32
      %dma_wait3A_150 = tpu.memref_slice %arg3[%add3A, %dma_wait3A_149] : memref<32x384xi32, #tpu.memory_space<hbm>> -> memref<1x384xi32, #tpu.memory_space<hbm>>
      %dma_wait3A_151 = tpu.memref_squeeze %dma_wait3A_150 : memref<1x384xi32, #tpu.memory_space<hbm>> -> memref<384xi32, #tpu.memory_space<hbm>>
      %dma_wait3A_152 = arith.constant 0 : i32
      %dma_wait3A_153 = tpu.memref_slice %arg3[%add3A, %dma_wait3A_152] : memref<32x384xi32, #tpu.memory_space<hbm>> -> memref<1x384xi32, #tpu.memory_space<hbm>>
      %dma_wait3A_154 = tpu.memref_squeeze %dma_wait3A_153 : memref<1x384xi32, #tpu.memory_space<hbm>> -> memref<384xi32, #tpu.memory_space<hbm>>
      tpu.wait_dma2 semaphore(%run_scoped3A : memref<!tpu.dma_semaphore, #tpu.memory_space<semaphore_mem>>) src(%dma_wait3A_154 : memref<384xi32, #tpu.memory_space<hbm>>) dst(%arg5 : memref<384xi32, #tpu.memory_space<vmem>>)
      tpu.yield
    }) : () -> ()
    %dma_start3A = arith.constant 0 : i32
    %dma_start3A_1 = tpu.memref_slice %arg5[%dma_start3A] : memref<384xi32, #tpu.memory_space<vmem>> -> memref<32xi32, #tpu.memory_space<vmem>>
    %dma_start3A_2 = arith.constant 0 : i32
    %dma_start3A_3 = arith.constant 0 : i32
    %dma_start3A_4 = tpu.memref_slice %arg2[%dma_start3A_2, %dma_start3A_3] : memref<6000x768xf32, #tpu.memory_space<hbm>> -> memref<6000x768xf32, #tpu.memory_space<hbm>>
    tpu.enqueue_indirect_dma source(%dma_start3A_4 : memref<6000x768xf32, #tpu.memory_space<hbm>>) target(%arg6 : memref<32x768xf32, #tpu.memory_space<vmem>>) offsets(%dma_start3A_1 : memref<32xi32, #tpu.memory_space<vmem>>) semaphore(%arg8 : memref<!tpu.dma_semaphore, #tpu.memory_space<semaphore_mem>>)
    %dma_start3A_5 = arith.constant 32 : i32
    %dma_start3A_6 = tpu.memref_slice %arg5[%dma_start3A_5] : memref<384xi32, #tpu.memory_space<vmem>> -> memref<32xi32, #tpu.memory_space<vmem>>
    %dma_start3A_7 = arith.constant 0 : i32
    %dma_start3A_8 = arith.constant 0 : i32
    %dma_start3A_9 = tpu.memref_slice %arg2[%dma_start3A_7, %dma_start3A_8] : memref<6000x768xf32, #tpu.memory_space<hbm>> -> memref<6000x768xf32, #tpu.memory_space<hbm>>
    tpu.enqueue_indirect_dma source(%dma_start3A_9 : memref<6000x768xf32, #tpu.memory_space<hbm>>) target(%arg7 : memref<32x768xf32, #tpu.memory_space<vmem>>) offsets(%dma_start3A_6 : memref<32xi32, #tpu.memory_space<vmem>>) semaphore(%arg9 : memref<!tpu.dma_semaphore, #tpu.memory_space<semaphore_mem>>)
    %dma_wait3A = arith.constant 0 : i32
    %dma_wait3A_10 = tpu.memref_slice %arg5[%dma_wait3A] : memref<384xi32, #tpu.memory_space<vmem>> -> memref<32xi32, #tpu.memory_space<vmem>>
    %dma_wait3A_11 = arith.constant 0 : i32
    %dma_wait3A_12 = arith.constant 0 : i32
    %dma_wait3A_13 = tpu.memref_slice %arg2[%dma_wait3A_11, %dma_wait3A_12] : memref<6000x768xf32, #tpu.memory_space<hbm>> -> memref<6000x768xf32, #tpu.memory_space<hbm>>
    tpu.wait_indirect_dma semaphore(%arg8 : memref<!tpu.dma_semaphore, #tpu.memory_space<semaphore_mem>>) src(%dma_wait3A_13 : memref<6000x768xf32, #tpu.memory_space<hbm>>) dst(%arg6 : memref<32x768xf32, #tpu.memory_space<vmem>>)
    %add3A_14 = arith.constant 0 : i32
    %add3A_15 = arith.addi %add3A_14, %add3A : i32
    "tpu.region"() ({
      %run_scoped3A = tpu.sem_alloc : memref<!tpu.dma_semaphore, #tpu.memory_space<semaphore_mem>>
      %dma_start3A_143 = arith.constant 0 : i32
      %dma_start3A_144 = arith.constant 0 : i32
      %dma_start3A_145 = tpu.memref_slice %arg4[%add3A_15, %dma_start3A_143, %dma_start3A_144] : memref<384x32x768xf32, #tpu.memory_space<hbm>> -> memref<1x32x768xf32, #tpu.memory_space<hbm>>
      %dma_start3A_146 = tpu.memref_squeeze %dma_start3A_145 : memref<1x32x768xf32, #tpu.memory_space<hbm>> -> memref<32x768xf32, #tpu.memory_space<hbm>>
      %dma_start3A_147 = arith.constant 0 : i32
      %dma_start3A_148 = arith.constant 0 : i32
      %dma_start3A_149 = tpu.memref_slice %arg4[%add3A_15, %dma_start3A_147, %dma_start3A_148] : memref<384x32x768xf32, #tpu.memory_space<hbm>> -> memref<1x32x768xf32, #tpu.memory_space<hbm>>
      %dma_start3A_150 = tpu.memref_squeeze %dma_start3A_149 : memref<1x32x768xf32, #tpu.memory_space<hbm>> -> memref<32x768xf32, #tpu.memory_space<hbm>>
      tpu.enqueue_dma source(%arg6 : memref<32x768xf32, #tpu.memory_space<vmem>>) target(%dma_start3A_150 : memref<32x768xf32, #tpu.memory_space<hbm>>) target_semaphore(%run_scoped3A : memref<!tpu.dma_semaphore, #tpu.memory_space<semaphore_mem>>)
      %dma_wait3A_151 = arith.constant 0 : i32
      %dma_wait3A_152 = arith.constant 0 : i32
      %dma_wait3A_153 = tpu.memref_slice %arg4[%add3A_15, %dma_wait3A_151, %dma_wait3A_152] : memref<384x32x768xf32, #tpu.memory_space<hbm>> -> memref<1x32x768xf32, #tpu.memory_space<hbm>>
      %dma_wait3A_154 = tpu.memref_squeeze %dma_wait3A_153 : memref<1x32x768xf32, #tpu.memory_space<hbm>> -> memref<32x768xf32, #tpu.memory_space<hbm>>
      %dma_wait3A_155 = arith.constant 0 : i32
      %dma_wait3A_156 = arith.constant 0 : i32
      %dma_wait3A_157 = tpu.memref_slice %arg4[%add3A_15, %dma_wait3A_155, %dma_wait3A_156] : memref<384x32x768xf32, #tpu.memory_space<hbm>> -> memref<1x32x768xf32, #tpu.memory_space<hbm>>
      %dma_wait3A_158 = tpu.memref_squeeze %dma_wait3A_157 : memref<1x32x768xf32, #tpu.memory_space<hbm>> -> memref<32x768xf32, #tpu.memory_space<hbm>>
      tpu.wait_dma2 semaphore(%run_scoped3A : memref<!tpu.dma_semaphore, #tpu.memory_space<semaphore_mem>>) src(%arg6 : memref<32x768xf32, #tpu.memory_space<vmem>>) dst(%dma_wait3A_158 : memref<32x768xf32, #tpu.memory_space<hbm>>)
      tpu.yield
    }) : () -> ()
    %dma_start3A_16 = arith.constant 64 : i32
    %dma_start3A_17 = tpu.memref_slice %arg5[%dma_start3A_16] : memref<384xi32, #tpu.memory_space<vmem>> -> memref<32xi32, #tpu.memory_space<vmem>>
    %dma_start3A_18 = arith.constant 0 : i32
    %dma_start3A_19 = arith.constant 0 : i32
    %dma_start3A_20 = tpu.memref_slice %arg2[%dma_start3A_18, %dma_start3A_19] : memref<6000x768xf32, #tpu.memory_space<hbm>> -> memref<6000x768xf32, #tpu.memory_space<hbm>>
    tpu.enqueue_indirect_dma source(%dma_start3A_20 : memref<6000x768xf32, #tpu.memory_space<hbm>>) target(%arg6 : memref<32x768xf32, #tpu.memory_space<vmem>>) offsets(%dma_start3A_17 : memref<32xi32, #tpu.memory_space<vmem>>) semaphore(%arg8 : memref<!tpu.dma_semaphore, #tpu.memory_space<semaphore_mem>>)
    %dma_wait3A_21 = arith.constant 32 : i32
    %dma_wait3A_22 = tpu.memref_slice %arg5[%dma_wait3A_21] : memref<384xi32, #tpu.memory_space<vmem>> -> memref<32xi32, #tpu.memory_space<vmem>>
    %dma_wait3A_23 = arith.constant 0 : i32
    %dma_wait3A_24 = arith.constant 0 : i32
    %dma_wait3A_25 = tpu.memref_slice %arg2[%dma_wait3A_23, %dma_wait3A_24] : memref<6000x768xf32, #tpu.memory_space<hbm>> -> memref<6000x768xf32, #tpu.memory_space<hbm>>
    tpu.wait_indirect_dma semaphore(%arg9 : memref<!tpu.dma_semaphore, #tpu.memory_space<semaphore_mem>>) src(%dma_wait3A_25 : memref<6000x768xf32, #tpu.memory_space<hbm>>) dst(%arg7 : memref<32x768xf32, #tpu.memory_space<vmem>>)
    %add3A_26 = arith.constant 32 : i32
    %add3A_27 = arith.addi %add3A_26, %add3A : i32
    "tpu.region"() ({
      %run_scoped3A = tpu.sem_alloc : memref<!tpu.dma_semaphore, #tpu.memory_space<semaphore_mem>>
      %dma_start3A_143 = arith.constant 0 : i32
      %dma_start3A_144 = arith.constant 0 : i32
      %dma_start3A_145 = tpu.memref_slice %arg4[%add3A_27, %dma_start3A_143, %dma_start3A_144] : memref<384x32x768xf32, #tpu.memory_space<hbm>> -> memref<1x32x768xf32, #tpu.memory_space<hbm>>
      %dma_start3A_146 = tpu.memref_squeeze %dma_start3A_145 : memref<1x32x768xf32, #tpu.memory_space<hbm>> -> memref<32x768xf32, #tpu.memory_space<hbm>>
      %dma_start3A_147 = arith.constant 0 : i32
      %dma_start3A_148 = arith.constant 0 : i32
      %dma_start3A_149 = tpu.memref_slice %arg4[%add3A_27, %dma_start3A_147, %dma_start3A_148] : memref<384x32x768xf32, #tpu.memory_space<hbm>> -> memref<1x32x768xf32, #tpu.memory_space<hbm>>
      %dma_start3A_150 = tpu.memref_squeeze %dma_start3A_149 : memref<1x32x768xf32, #tpu.memory_space<hbm>> -> memref<32x768xf32, #tpu.memory_space<hbm>>
      tpu.enqueue_dma source(%arg7 : memref<32x768xf32, #tpu.memory_space<vmem>>) target(%dma_start3A_150 : memref<32x768xf32, #tpu.memory_space<hbm>>) target_semaphore(%run_scoped3A : memref<!tpu.dma_semaphore, #tpu.memory_space<semaphore_mem>>)
      %dma_wait3A_151 = arith.constant 0 : i32
      %dma_wait3A_152 = arith.constant 0 : i32
      %dma_wait3A_153 = tpu.memref_slice %arg4[%add3A_27, %dma_wait3A_151, %dma_wait3A_152] : memref<384x32x768xf32, #tpu.memory_space<hbm>> -> memref<1x32x768xf32, #tpu.memory_space<hbm>>
      %dma_wait3A_154 = tpu.memref_squeeze %dma_wait3A_153 : memref<1x32x768xf32, #tpu.memory_space<hbm>> -> memref<32x768xf32, #tpu.memory_space<hbm>>
      %dma_wait3A_155 = arith.constant 0 : i32
      %dma_wait3A_156 = arith.constant 0 : i32
      %dma_wait3A_157 = tpu.memref_slice %arg4[%add3A_27, %dma_wait3A_155, %dma_wait3A_156] : memref<384x32x768xf32, #tpu.memory_space<hbm>> -> memref<1x32x768xf32, #tpu.memory_space<hbm>>
      %dma_wait3A_158 = tpu.memref_squeeze %dma_wait3A_157 : memref<1x32x768xf32, #tpu.memory_space<hbm>> -> memref<32x768xf32, #tpu.memory_space<hbm>>
      tpu.wait_dma2 semaphore(%run_scoped3A : memref<!tpu.dma_semaphore, #tpu.memory_space<semaphore_mem>>) src(%arg7 : memref<32x768xf32, #tpu.memory_space<vmem>>) dst(%dma_wait3A_158 : memref<32x768xf32, #tpu.memory_space<hbm>>)
      tpu.yield
    }) : () -> ()
    %dma_start3A_28 = arith.constant 96 : i32
    %dma_start3A_29 = tpu.memref_slice %arg5[%dma_start3A_28] : memref<384xi32, #tpu.memory_space<vmem>> -> memref<32xi32, #tpu.memory_space<vmem>>
    %dma_start3A_30 = arith.constant 0 : i32
    %dma_start3A_31 = arith.constant 0 : i32
    %dma_start3A_32 = tpu.memref_slice %arg2[%dma_start3A_30, %dma_start3A_31] : memref<6000x768xf32, #tpu.memory_space<hbm>> -> memref<6000x768xf32, #tpu.memory_space<hbm>>
    tpu.enqueue_indirect_dma source(%dma_start3A_32 : memref<6000x768xf32, #tpu.memory_space<hbm>>) target(%arg7 : memref<32x768xf32, #tpu.memory_space<vmem>>) offsets(%dma_start3A_29 : memref<32xi32, #tpu.memory_space<vmem>>) semaphore(%arg9 : memref<!tpu.dma_semaphore, #tpu.memory_space<semaphore_mem>>)
    %dma_wait3A_33 = arith.constant 64 : i32
    %dma_wait3A_34 = tpu.memref_slice %arg5[%dma_wait3A_33] : memref<384xi32, #tpu.memory_space<vmem>> -> memref<32xi32, #tpu.memory_space<vmem>>
    %dma_wait3A_35 = arith.constant 0 : i32
    %dma_wait3A_36 = arith.constant 0 : i32
    %dma_wait3A_37 = tpu.memref_slice %arg2[%dma_wait3A_35, %dma_wait3A_36] : memref<6000x768xf32, #tpu.memory_space<hbm>> -> memref<6000x768xf32, #tpu.memory_space<hbm>>
    tpu.wait_indirect_dma semaphore(%arg8 : memref<!tpu.dma_semaphore, #tpu.memory_space<semaphore_mem>>) src(%dma_wait3A_37 : memref<6000x768xf32, #tpu.memory_space<hbm>>) dst(%arg6 : memref<32x768xf32, #tpu.memory_space<vmem>>)
    %add3A_38 = arith.constant 64 : i32
    %add3A_39 = arith.addi %add3A_38, %add3A : i32
    "tpu.region"() ({
      %run_scoped3A = tpu.sem_alloc : memref<!tpu.dma_semaphore, #tpu.memory_space<semaphore_mem>>
      %dma_start3A_143 = arith.constant 0 : i32
      %dma_start3A_144 = arith.constant 0 : i32
      %dma_start3A_145 = tpu.memref_slice %arg4[%add3A_39, %dma_start3A_143, %dma_start3A_144] : memref<384x32x768xf32, #tpu.memory_space<hbm>> -> memref<1x32x768xf32, #tpu.memory_space<hbm>>
      %dma_start3A_146 = tpu.memref_squeeze %dma_start3A_145 : memref<1x32x768xf32, #tpu.memory_space<hbm>> -> memref<32x768xf32, #tpu.memory_space<hbm>>
      %dma_start3A_147 = arith.constant 0 : i32
      %dma_start3A_148 = arith.constant 0 : i32
      %dma_start3A_149 = tpu.memref_slice %arg4[%add3A_39, %dma_start3A_147, %dma_start3A_148] : memref<384x32x768xf32, #tpu.memory_space<hbm>> -> memref<1x32x768xf32, #tpu.memory_space<hbm>>
      %dma_start3A_150 = tpu.memref_squeeze %dma_start3A_149 : memref<1x32x768xf32, #tpu.memory_space<hbm>> -> memref<32x768xf32, #tpu.memory_space<hbm>>
      tpu.enqueue_dma source(%arg6 : memref<32x768xf32, #tpu.memory_space<vmem>>) target(%dma_start3A_150 : memref<32x768xf32, #tpu.memory_space<hbm>>) target_semaphore(%run_scoped3A : memref<!tpu.dma_semaphore, #tpu.memory_space<semaphore_mem>>)
      %dma_wait3A_151 = arith.constant 0 : i32
      %dma_wait3A_152 = arith.constant 0 : i32
      %dma_wait3A_153 = tpu.memref_slice %arg4[%add3A_39, %dma_wait3A_151, %dma_wait3A_152] : memref<384x32x768xf32, #tpu.memory_space<hbm>> -> memref<1x32x768xf32, #tpu.memory_space<hbm>>
      %dma_wait3A_154 = tpu.memref_squeeze %dma_wait3A_153 : memref<1x32x768xf32, #tpu.memory_space<hbm>> -> memref<32x768xf32, #tpu.memory_space<hbm>>
      %dma_wait3A_155 = arith.constant 0 : i32
      %dma_wait3A_156 = arith.constant 0 : i32
      %dma_wait3A_157 = tpu.memref_slice %arg4[%add3A_39, %dma_wait3A_155, %dma_wait3A_156] : memref<384x32x768xf32, #tpu.memory_space<hbm>> -> memref<1x32x768xf32, #tpu.memory_space<hbm>>
      %dma_wait3A_158 = tpu.memref_squeeze %dma_wait3A_157 : memref<1x32x768xf32, #tpu.memory_space<hbm>> -> memref<32x768xf32, #tpu.memory_space<hbm>>
      tpu.wait_dma2 semaphore(%run_scoped3A : memref<!tpu.dma_semaphore, #tpu.memory_space<semaphore_mem>>) src(%arg6 : memref<32x768xf32, #tpu.memory_space<vmem>>) dst(%dma_wait3A_158 : memref<32x768xf32, #tpu.memory_space<hbm>>)
      tpu.yield
    }) : () -> ()
    %dma_start3A_40 = arith.constant 128 : i32
    %dma_start3A_41 = tpu.memref_slice %arg5[%dma_start3A_40] : memref<384xi32, #tpu.memory_space<vmem>> -> memref<32xi32, #tpu.memory_space<vmem>>
    %dma_start3A_42 = arith.constant 0 : i32
    %dma_start3A_43 = arith.constant 0 : i32
    %dma_start3A_44 = tpu.memref_slice %arg2[%dma_start3A_42, %dma_start3A_43] : memref<6000x768xf32, #tpu.memory_space<hbm>> -> memref<6000x768xf32, #tpu.memory_space<hbm>>
    tpu.enqueue_indirect_dma source(%dma_start3A_44 : memref<6000x768xf32, #tpu.memory_space<hbm>>) target(%arg6 : memref<32x768xf32, #tpu.memory_space<vmem>>) offsets(%dma_start3A_41 : memref<32xi32, #tpu.memory_space<vmem>>) semaphore(%arg8 : memref<!tpu.dma_semaphore, #tpu.memory_space<semaphore_mem>>)
    %dma_wait3A_45 = arith.constant 96 : i32
    %dma_wait3A_46 = tpu.memref_slice %arg5[%dma_wait3A_45] : memref<384xi32, #tpu.memory_space<vmem>> -> memref<32xi32, #tpu.memory_space<vmem>>
    %dma_wait3A_47 = arith.constant 0 : i32
    %dma_wait3A_48 = arith.constant 0 : i32
    %dma_wait3A_49 = tpu.memref_slice %arg2[%dma_wait3A_47, %dma_wait3A_48] : memref<6000x768xf32, #tpu.memory_space<hbm>> -> memref<6000x768xf32, #tpu.memory_space<hbm>>
    tpu.wait_indirect_dma semaphore(%arg9 : memref<!tpu.dma_semaphore, #tpu.memory_space<semaphore_mem>>) src(%dma_wait3A_49 : memref<6000x768xf32, #tpu.memory_space<hbm>>) dst(%arg7 : memref<32x768xf32, #tpu.memory_space<vmem>>)
    %add3A_50 = arith.constant 96 : i32
    %add3A_51 = arith.addi %add3A_50, %add3A : i32
    "tpu.region"() ({
      %run_scoped3A = tpu.sem_alloc : memref<!tpu.dma_semaphore, #tpu.memory_space<semaphore_mem>>
      %dma_start3A_143 = arith.constant 0 : i32
      %dma_start3A_144 = arith.constant 0 : i32
      %dma_start3A_145 = tpu.memref_slice %arg4[%add3A_51, %dma_start3A_143, %dma_start3A_144] : memref<384x32x768xf32, #tpu.memory_space<hbm>> -> memref<1x32x768xf32, #tpu.memory_space<hbm>>
      %dma_start3A_146 = tpu.memref_squeeze %dma_start3A_145 : memref<1x32x768xf32, #tpu.memory_space<hbm>> -> memref<32x768xf32, #tpu.memory_space<hbm>>
      %dma_start3A_147 = arith.constant 0 : i32
      %dma_start3A_148 = arith.constant 0 : i32
      %dma_start3A_149 = tpu.memref_slice %arg4[%add3A_51, %dma_start3A_147, %dma_start3A_148] : memref<384x32x768xf32, #tpu.memory_space<hbm>> -> memref<1x32x768xf32, #tpu.memory_space<hbm>>
      %dma_start3A_150 = tpu.memref_squeeze %dma_start3A_149 : memref<1x32x768xf32, #tpu.memory_space<hbm>> -> memref<32x768xf32, #tpu.memory_space<hbm>>
      tpu.enqueue_dma source(%arg7 : memref<32x768xf32, #tpu.memory_space<vmem>>) target(%dma_start3A_150 : memref<32x768xf32, #tpu.memory_space<hbm>>) target_semaphore(%run_scoped3A : memref<!tpu.dma_semaphore, #tpu.memory_space<semaphore_mem>>)
      %dma_wait3A_151 = arith.constant 0 : i32
      %dma_wait3A_152 = arith.constant 0 : i32
      %dma_wait3A_153 = tpu.memref_slice %arg4[%add3A_51, %dma_wait3A_151, %dma_wait3A_152] : memref<384x32x768xf32, #tpu.memory_space<hbm>> -> memref<1x32x768xf32, #tpu.memory_space<hbm>>
      %dma_wait3A_154 = tpu.memref_squeeze %dma_wait3A_153 : memref<1x32x768xf32, #tpu.memory_space<hbm>> -> memref<32x768xf32, #tpu.memory_space<hbm>>
      %dma_wait3A_155 = arith.constant 0 : i32
      %dma_wait3A_156 = arith.constant 0 : i32
      %dma_wait3A_157 = tpu.memref_slice %arg4[%add3A_51, %dma_wait3A_155, %dma_wait3A_156] : memref<384x32x768xf32, #tpu.memory_space<hbm>> -> memref<1x32x768xf32, #tpu.memory_space<hbm>>
      %dma_wait3A_158 = tpu.memref_squeeze %dma_wait3A_157 : memref<1x32x768xf32, #tpu.memory_space<hbm>> -> memref<32x768xf32, #tpu.memory_space<hbm>>
      tpu.wait_dma2 semaphore(%run_scoped3A : memref<!tpu.dma_semaphore, #tpu.memory_space<semaphore_mem>>) src(%arg7 : memref<32x768xf32, #tpu.memory_space<vmem>>) dst(%dma_wait3A_158 : memref<32x768xf32, #tpu.memory_space<hbm>>)
      tpu.yield
    }) : () -> ()
    %dma_start3A_52 = arith.constant 160 : i32
    %dma_start3A_53 = tpu.memref_slice %arg5[%dma_start3A_52] : memref<384xi32, #tpu.memory_space<vmem>> -> memref<32xi32, #tpu.memory_space<vmem>>
    %dma_start3A_54 = arith.constant 0 : i32
    %dma_start3A_55 = arith.constant 0 : i32
    %dma_start3A_56 = tpu.memref_slice %arg2[%dma_start3A_54, %dma_start3A_55] : memref<6000x768xf32, #tpu.memory_space<hbm>> -> memref<6000x768xf32, #tpu.memory_space<hbm>>
    tpu.enqueue_indirect_dma source(%dma_start3A_56 : memref<6000x768xf32, #tpu.memory_space<hbm>>) target(%arg7 : memref<32x768xf32, #tpu.memory_space<vmem>>) offsets(%dma_start3A_53 : memref<32xi32, #tpu.memory_space<vmem>>) semaphore(%arg9 : memref<!tpu.dma_semaphore, #tpu.memory_space<semaphore_mem>>)
    %dma_wait3A_57 = arith.constant 128 : i32
    %dma_wait3A_58 = tpu.memref_slice %arg5[%dma_wait3A_57] : memref<384xi32, #tpu.memory_space<vmem>> -> memref<32xi32, #tpu.memory_space<vmem>>
    %dma_wait3A_59 = arith.constant 0 : i32
    %dma_wait3A_60 = arith.constant 0 : i32
    %dma_wait3A_61 = tpu.memref_slice %arg2[%dma_wait3A_59, %dma_wait3A_60] : memref<6000x768xf32, #tpu.memory_space<hbm>> -> memref<6000x768xf32, #tpu.memory_space<hbm>>
    tpu.wait_indirect_dma semaphore(%arg8 : memref<!tpu.dma_semaphore, #tpu.memory_space<semaphore_mem>>) src(%dma_wait3A_61 : memref<6000x768xf32, #tpu.memory_space<hbm>>) dst(%arg6 : memref<32x768xf32, #tpu.memory_space<vmem>>)
    %add3A_62 = arith.constant 128 : i32
    %add3A_63 = arith.addi %add3A_62, %add3A : i32
    "tpu.region"() ({
      %run_scoped3A = tpu.sem_alloc : memref<!tpu.dma_semaphore, #tpu.memory_space<semaphore_mem>>
      %dma_start3A_143 = arith.constant 0 : i32
      %dma_start3A_144 = arith.constant 0 : i32
      %dma_start3A_145 = tpu.memref_slice %arg4[%add3A_63, %dma_start3A_143, %dma_start3A_144] : memref<384x32x768xf32, #tpu.memory_space<hbm>> -> memref<1x32x768xf32, #tpu.memory_space<hbm>>
      %dma_start3A_146 = tpu.memref_squeeze %dma_start3A_145 : memref<1x32x768xf32, #tpu.memory_space<hbm>> -> memref<32x768xf32, #tpu.memory_space<hbm>>
      %dma_start3A_147 = arith.constant 0 : i32
      %dma_start3A_148 = arith.constant 0 : i32
      %dma_start3A_149 = tpu.memref_slice %arg4[%add3A_63, %dma_start3A_147, %dma_start3A_148] : memref<384x32x768xf32, #tpu.memory_space<hbm>> -> memref<1x32x768xf32, #tpu.memory_space<hbm>>
      %dma_start3A_150 = tpu.memref_squeeze %dma_start3A_149 : memref<1x32x768xf32, #tpu.memory_space<hbm>> -> memref<32x768xf32, #tpu.memory_space<hbm>>
      tpu.enqueue_dma source(%arg6 : memref<32x768xf32, #tpu.memory_space<vmem>>) target(%dma_start3A_150 : memref<32x768xf32, #tpu.memory_space<hbm>>) target_semaphore(%run_scoped3A : memref<!tpu.dma_semaphore, #tpu.memory_space<semaphore_mem>>)
      %dma_wait3A_151 = arith.constant 0 : i32
      %dma_wait3A_152 = arith.constant 0 : i32
      %dma_wait3A_153 = tpu.memref_slice %arg4[%add3A_63, %dma_wait3A_151, %dma_wait3A_152] : memref<384x32x768xf32, #tpu.memory_space<hbm>> -> memref<1x32x768xf32, #tpu.memory_space<hbm>>
      %dma_wait3A_154 = tpu.memref_squeeze %dma_wait3A_153 : memref<1x32x768xf32, #tpu.memory_space<hbm>> -> memref<32x768xf32, #tpu.memory_space<hbm>>
      %dma_wait3A_155 = arith.constant 0 : i32
      %dma_wait3A_156 = arith.constant 0 : i32
      %dma_wait3A_157 = tpu.memref_slice %arg4[%add3A_63, %dma_wait3A_155, %dma_wait3A_156] : memref<384x32x768xf32, #tpu.memory_space<hbm>> -> memref<1x32x768xf32, #tpu.memory_space<hbm>>
      %dma_wait3A_158 = tpu.memref_squeeze %dma_wait3A_157 : memref<1x32x768xf32, #tpu.memory_space<hbm>> -> memref<32x768xf32, #tpu.memory_space<hbm>>
      tpu.wait_dma2 semaphore(%run_scoped3A : memref<!tpu.dma_semaphore, #tpu.memory_space<semaphore_mem>>) src(%arg6 : memref<32x768xf32, #tpu.memory_space<vmem>>) dst(%dma_wait3A_158 : memref<32x768xf32, #tpu.memory_space<hbm>>)
      tpu.yield
    }) : () -> ()
    %dma_start3A_64 = arith.constant 192 : i32
    %dma_start3A_65 = tpu.memref_slice %arg5[%dma_start3A_64] : memref<384xi32, #tpu.memory_space<vmem>> -> memref<32xi32, #tpu.memory_space<vmem>>
    %dma_start3A_66 = arith.constant 0 : i32
    %dma_start3A_67 = arith.constant 0 : i32
    %dma_start3A_68 = tpu.memref_slice %arg2[%dma_start3A_66, %dma_start3A_67] : memref<6000x768xf32, #tpu.memory_space<hbm>> -> memref<6000x768xf32, #tpu.memory_space<hbm>>
    tpu.enqueue_indirect_dma source(%dma_start3A_68 : memref<6000x768xf32, #tpu.memory_space<hbm>>) target(%arg6 : memref<32x768xf32, #tpu.memory_space<vmem>>) offsets(%dma_start3A_65 : memref<32xi32, #tpu.memory_space<vmem>>) semaphore(%arg8 : memref<!tpu.dma_semaphore, #tpu.memory_space<semaphore_mem>>)
    %dma_wait3A_69 = arith.constant 160 : i32
    %dma_wait3A_70 = tpu.memref_slice %arg5[%dma_wait3A_69] : memref<384xi32, #tpu.memory_space<vmem>> -> memref<32xi32, #tpu.memory_space<vmem>>
    %dma_wait3A_71 = arith.constant 0 : i32
    %dma_wait3A_72 = arith.constant 0 : i32
    %dma_wait3A_73 = tpu.memref_slice %arg2[%dma_wait3A_71, %dma_wait3A_72] : memref<6000x768xf32, #tpu.memory_space<hbm>> -> memref<6000x768xf32, #tpu.memory_space<hbm>>
    tpu.wait_indirect_dma semaphore(%arg9 : memref<!tpu.dma_semaphore, #tpu.memory_space<semaphore_mem>>) src(%dma_wait3A_73 : memref<6000x768xf32, #tpu.memory_space<hbm>>) dst(%arg7 : memref<32x768xf32, #tpu.memory_space<vmem>>)
    %add3A_74 = arith.constant 160 : i32
    %add3A_75 = arith.addi %add3A_74, %add3A : i32
    "tpu.region"() ({
      %run_scoped3A = tpu.sem_alloc : memref<!tpu.dma_semaphore, #tpu.memory_space<semaphore_mem>>
      %dma_start3A_143 = arith.constant 0 : i32
      %dma_start3A_144 = arith.constant 0 : i32
      %dma_start3A_145 = tpu.memref_slice %arg4[%add3A_75, %dma_start3A_143, %dma_start3A_144] : memref<384x32x768xf32, #tpu.memory_space<hbm>> -> memref<1x32x768xf32, #tpu.memory_space<hbm>>
      %dma_start3A_146 = tpu.memref_squeeze %dma_start3A_145 : memref<1x32x768xf32, #tpu.memory_space<hbm>> -> memref<32x768xf32, #tpu.memory_space<hbm>>
      %dma_start3A_147 = arith.constant 0 : i32
      %dma_start3A_148 = arith.constant 0 : i32
      %dma_start3A_149 = tpu.memref_slice %arg4[%add3A_75, %dma_start3A_147, %dma_start3A_148] : memref<384x32x768xf32, #tpu.memory_space<hbm>> -> memref<1x32x768xf32, #tpu.memory_space<hbm>>
      %dma_start3A_150 = tpu.memref_squeeze %dma_start3A_149 : memref<1x32x768xf32, #tpu.memory_space<hbm>> -> memref<32x768xf32, #tpu.memory_space<hbm>>
      tpu.enqueue_dma source(%arg7 : memref<32x768xf32, #tpu.memory_space<vmem>>) target(%dma_start3A_150 : memref<32x768xf32, #tpu.memory_space<hbm>>) target_semaphore(%run_scoped3A : memref<!tpu.dma_semaphore, #tpu.memory_space<semaphore_mem>>)
      %dma_wait3A_151 = arith.constant 0 : i32
      %dma_wait3A_152 = arith.constant 0 : i32
      %dma_wait3A_153 = tpu.memref_slice %arg4[%add3A_75, %dma_wait3A_151, %dma_wait3A_152] : memref<384x32x768xf32, #tpu.memory_space<hbm>> -> memref<1x32x768xf32, #tpu.memory_space<hbm>>
      %dma_wait3A_154 = tpu.memref_squeeze %dma_wait3A_153 : memref<1x32x768xf32, #tpu.memory_space<hbm>> -> memref<32x768xf32, #tpu.memory_space<hbm>>
      %dma_wait3A_155 = arith.constant 0 : i32
      %dma_wait3A_156 = arith.constant 0 : i32
      %dma_wait3A_157 = tpu.memref_slice %arg4[%add3A_75, %dma_wait3A_155, %dma_wait3A_156] : memref<384x32x768xf32, #tpu.memory_space<hbm>> -> memref<1x32x768xf32, #tpu.memory_space<hbm>>
      %dma_wait3A_158 = tpu.memref_squeeze %dma_wait3A_157 : memref<1x32x768xf32, #tpu.memory_space<hbm>> -> memref<32x768xf32, #tpu.memory_space<hbm>>
      tpu.wait_dma2 semaphore(%run_scoped3A : memref<!tpu.dma_semaphore, #tpu.memory_space<semaphore_mem>>) src(%arg7 : memref<32x768xf32, #tpu.memory_space<vmem>>) dst(%dma_wait3A_158 : memref<32x768xf32, #tpu.memory_space<hbm>>)
      tpu.yield
    }) : () -> ()
    %dma_start3A_76 = arith.constant 224 : i32
    %dma_start3A_77 = tpu.memref_slice %arg5[%dma_start3A_76] : memref<384xi32, #tpu.memory_space<vmem>> -> memref<32xi32, #tpu.memory_space<vmem>>
    %dma_start3A_78 = arith.constant 0 : i32
    %dma_start3A_79 = arith.constant 0 : i32
    %dma_start3A_80 = tpu.memref_slice %arg2[%dma_start3A_78, %dma_start3A_79] : memref<6000x768xf32, #tpu.memory_space<hbm>> -> memref<6000x768xf32, #tpu.memory_space<hbm>>
    tpu.enqueue_indirect_dma source(%dma_start3A_80 : memref<6000x768xf32, #tpu.memory_space<hbm>>) target(%arg7 : memref<32x768xf32, #tpu.memory_space<vmem>>) offsets(%dma_start3A_77 : memref<32xi32, #tpu.memory_space<vmem>>) semaphore(%arg9 : memref<!tpu.dma_semaphore, #tpu.memory_space<semaphore_mem>>)
    %dma_wait3A_81 = arith.constant 192 : i32
    %dma_wait3A_82 = tpu.memref_slice %arg5[%dma_wait3A_81] : memref<384xi32, #tpu.memory_space<vmem>> -> memref<32xi32, #tpu.memory_space<vmem>>
    %dma_wait3A_83 = arith.constant 0 : i32
    %dma_wait3A_84 = arith.constant 0 : i32
    %dma_wait3A_85 = tpu.memref_slice %arg2[%dma_wait3A_83, %dma_wait3A_84] : memref<6000x768xf32, #tpu.memory_space<hbm>> -> memref<6000x768xf32, #tpu.memory_space<hbm>>
    tpu.wait_indirect_dma semaphore(%arg8 : memref<!tpu.dma_semaphore, #tpu.memory_space<semaphore_mem>>) src(%dma_wait3A_85 : memref<6000x768xf32, #tpu.memory_space<hbm>>) dst(%arg6 : memref<32x768xf32, #tpu.memory_space<vmem>>)
    %add3A_86 = arith.constant 192 : i32
    %add3A_87 = arith.addi %add3A_86, %add3A : i32
    "tpu.region"() ({
      %run_scoped3A = tpu.sem_alloc : memref<!tpu.dma_semaphore, #tpu.memory_space<semaphore_mem>>
      %dma_start3A_143 = arith.constant 0 : i32
      %dma_start3A_144 = arith.constant 0 : i32
      %dma_start3A_145 = tpu.memref_slice %arg4[%add3A_87, %dma_start3A_143, %dma_start3A_144] : memref<384x32x768xf32, #tpu.memory_space<hbm>> -> memref<1x32x768xf32, #tpu.memory_space<hbm>>
      %dma_start3A_146 = tpu.memref_squeeze %dma_start3A_145 : memref<1x32x768xf32, #tpu.memory_space<hbm>> -> memref<32x768xf32, #tpu.memory_space<hbm>>
      %dma_start3A_147 = arith.constant 0 : i32
      %dma_start3A_148 = arith.constant 0 : i32
      %dma_start3A_149 = tpu.memref_slice %arg4[%add3A_87, %dma_start3A_147, %dma_start3A_148] : memref<384x32x768xf32, #tpu.memory_space<hbm>> -> memref<1x32x768xf32, #tpu.memory_space<hbm>>
      %dma_start3A_150 = tpu.memref_squeeze %dma_start3A_149 : memref<1x32x768xf32, #tpu.memory_space<hbm>> -> memref<32x768xf32, #tpu.memory_space<hbm>>
      tpu.enqueue_dma source(%arg6 : memref<32x768xf32, #tpu.memory_space<vmem>>) target(%dma_start3A_150 : memref<32x768xf32, #tpu.memory_space<hbm>>) target_semaphore(%run_scoped3A : memref<!tpu.dma_semaphore, #tpu.memory_space<semaphore_mem>>)
      %dma_wait3A_151 = arith.constant 0 : i32
      %dma_wait3A_152 = arith.constant 0 : i32
      %dma_wait3A_153 = tpu.memref_slice %arg4[%add3A_87, %dma_wait3A_151, %dma_wait3A_152] : memref<384x32x768xf32, #tpu.memory_space<hbm>> -> memref<1x32x768xf32, #tpu.memory_space<hbm>>
      %dma_wait3A_154 = tpu.memref_squeeze %dma_wait3A_153 : memref<1x32x768xf32, #tpu.memory_space<hbm>> -> memref<32x768xf32, #tpu.memory_space<hbm>>
      %dma_wait3A_155 = arith.constant 0 : i32
      %dma_wait3A_156 = arith.constant 0 : i32
      %dma_wait3A_157 = tpu.memref_slice %arg4[%add3A_87, %dma_wait3A_155, %dma_wait3A_156] : memref<384x32x768xf32, #tpu.memory_space<hbm>> -> memref<1x32x768xf32, #tpu.memory_space<hbm>>
      %dma_wait3A_158 = tpu.memref_squeeze %dma_wait3A_157 : memref<1x32x768xf32, #tpu.memory_space<hbm>> -> memref<32x768xf32, #tpu.memory_space<hbm>>
      tpu.wait_dma2 semaphore(%run_scoped3A : memref<!tpu.dma_semaphore, #tpu.memory_space<semaphore_mem>>) src(%arg6 : memref<32x768xf32, #tpu.memory_space<vmem>>) dst(%dma_wait3A_158 : memref<32x768xf32, #tpu.memory_space<hbm>>)
      tpu.yield
    }) : () -> ()
    %dma_start3A_88 = arith.constant 256 : i32
    %dma_start3A_89 = tpu.memref_slice %arg5[%dma_start3A_88] : memref<384xi32, #tpu.memory_space<vmem>> -> memref<32xi32, #tpu.memory_space<vmem>>
    %dma_start3A_90 = arith.constant 0 : i32
    %dma_start3A_91 = arith.constant 0 : i32
    %dma_start3A_92 = tpu.memref_slice %arg2[%dma_start3A_90, %dma_start3A_91] : memref<6000x768xf32, #tpu.memory_space<hbm>> -> memref<6000x768xf32, #tpu.memory_space<hbm>>
    tpu.enqueue_indirect_dma source(%dma_start3A_92 : memref<6000x768xf32, #tpu.memory_space<hbm>>) target(%arg6 : memref<32x768xf32, #tpu.memory_space<vmem>>) offsets(%dma_start3A_89 : memref<32xi32, #tpu.memory_space<vmem>>) semaphore(%arg8 : memref<!tpu.dma_semaphore, #tpu.memory_space<semaphore_mem>>)
    %dma_wait3A_93 = arith.constant 224 : i32
    %dma_wait3A_94 = tpu.memref_slice %arg5[%dma_wait3A_93] : memref<384xi32, #tpu.memory_space<vmem>> -> memref<32xi32, #tpu.memory_space<vmem>>
    %dma_wait3A_95 = arith.constant 0 : i32
    %dma_wait3A_96 = arith.constant 0 : i32
    %dma_wait3A_97 = tpu.memref_slice %arg2[%dma_wait3A_95, %dma_wait3A_96] : memref<6000x768xf32, #tpu.memory_space<hbm>> -> memref<6000x768xf32, #tpu.memory_space<hbm>>
    tpu.wait_indirect_dma semaphore(%arg9 : memref<!tpu.dma_semaphore, #tpu.memory_space<semaphore_mem>>) src(%dma_wait3A_97 : memref<6000x768xf32, #tpu.memory_space<hbm>>) dst(%arg7 : memref<32x768xf32, #tpu.memory_space<vmem>>)
    %add3A_98 = arith.constant 224 : i32
    %add3A_99 = arith.addi %add3A_98, %add3A : i32
    "tpu.region"() ({
      %run_scoped3A = tpu.sem_alloc : memref<!tpu.dma_semaphore, #tpu.memory_space<semaphore_mem>>
      %dma_start3A_143 = arith.constant 0 : i32
      %dma_start3A_144 = arith.constant 0 : i32
      %dma_start3A_145 = tpu.memref_slice %arg4[%add3A_99, %dma_start3A_143, %dma_start3A_144] : memref<384x32x768xf32, #tpu.memory_space<hbm>> -> memref<1x32x768xf32, #tpu.memory_space<hbm>>
      %dma_start3A_146 = tpu.memref_squeeze %dma_start3A_145 : memref<1x32x768xf32, #tpu.memory_space<hbm>> -> memref<32x768xf32, #tpu.memory_space<hbm>>
      %dma_start3A_147 = arith.constant 0 : i32
      %dma_start3A_148 = arith.constant 0 : i32
      %dma_start3A_149 = tpu.memref_slice %arg4[%add3A_99, %dma_start3A_147, %dma_start3A_148] : memref<384x32x768xf32, #tpu.memory_space<hbm>> -> memref<1x32x768xf32, #tpu.memory_space<hbm>>
      %dma_start3A_150 = tpu.memref_squeeze %dma_start3A_149 : memref<1x32x768xf32, #tpu.memory_space<hbm>> -> memref<32x768xf32, #tpu.memory_space<hbm>>
      tpu.enqueue_dma source(%arg7 : memref<32x768xf32, #tpu.memory_space<vmem>>) target(%dma_start3A_150 : memref<32x768xf32, #tpu.memory_space<hbm>>) target_semaphore(%run_scoped3A : memref<!tpu.dma_semaphore, #tpu.memory_space<semaphore_mem>>)
      %dma_wait3A_151 = arith.constant 0 : i32
      %dma_wait3A_152 = arith.constant 0 : i32
      %dma_wait3A_153 = tpu.memref_slice %arg4[%add3A_99, %dma_wait3A_151, %dma_wait3A_152] : memref<384x32x768xf32, #tpu.memory_space<hbm>> -> memref<1x32x768xf32, #tpu.memory_space<hbm>>
      %dma_wait3A_154 = tpu.memref_squeeze %dma_wait3A_153 : memref<1x32x768xf32, #tpu.memory_space<hbm>> -> memref<32x768xf32, #tpu.memory_space<hbm>>
      %dma_wait3A_155 = arith.constant 0 : i32
      %dma_wait3A_156 = arith.constant 0 : i32
      %dma_wait3A_157 = tpu.memref_slice %arg4[%add3A_99, %dma_wait3A_155, %dma_wait3A_156] : memref<384x32x768xf32, #tpu.memory_space<hbm>> -> memref<1x32x768xf32, #tpu.memory_space<hbm>>
      %dma_wait3A_158 = tpu.memref_squeeze %dma_wait3A_157 : memref<1x32x768xf32, #tpu.memory_space<hbm>> -> memref<32x768xf32, #tpu.memory_space<hbm>>
      tpu.wait_dma2 semaphore(%run_scoped3A : memref<!tpu.dma_semaphore, #tpu.memory_space<semaphore_mem>>) src(%arg7 : memref<32x768xf32, #tpu.memory_space<vmem>>) dst(%dma_wait3A_158 : memref<32x768xf32, #tpu.memory_space<hbm>>)
      tpu.yield
    }) : () -> ()
    %dma_start3A_100 = arith.constant 288 : i32
    %dma_start3A_101 = tpu.memref_slice %arg5[%dma_start3A_100] : memref<384xi32, #tpu.memory_space<vmem>> -> memref<32xi32, #tpu.memory_space<vmem>>
    %dma_start3A_102 = arith.constant 0 : i32
    %dma_start3A_103 = arith.constant 0 : i32
    %dma_start3A_104 = tpu.memref_slice %arg2[%dma_start3A_102, %dma_start3A_103] : memref<6000x768xf32, #tpu.memory_space<hbm>> -> memref<6000x768xf32, #tpu.memory_space<hbm>>
    tpu.enqueue_indirect_dma source(%dma_start3A_104 : memref<6000x768xf32, #tpu.memory_space<hbm>>) target(%arg7 : memref<32x768xf32, #tpu.memory_space<vmem>>) offsets(%dma_start3A_101 : memref<32xi32, #tpu.memory_space<vmem>>) semaphore(%arg9 : memref<!tpu.dma_semaphore, #tpu.memory_space<semaphore_mem>>)
    %dma_wait3A_105 = arith.constant 256 : i32
    %dma_wait3A_106 = tpu.memref_slice %arg5[%dma_wait3A_105] : memref<384xi32, #tpu.memory_space<vmem>> -> memref<32xi32, #tpu.memory_space<vmem>>
    %dma_wait3A_107 = arith.constant 0 : i32
    %dma_wait3A_108 = arith.constant 0 : i32
    %dma_wait3A_109 = tpu.memref_slice %arg2[%dma_wait3A_107, %dma_wait3A_108] : memref<6000x768xf32, #tpu.memory_space<hbm>> -> memref<6000x768xf32, #tpu.memory_space<hbm>>
    tpu.wait_indirect_dma semaphore(%arg8 : memref<!tpu.dma_semaphore, #tpu.memory_space<semaphore_mem>>) src(%dma_wait3A_109 : memref<6000x768xf32, #tpu.memory_space<hbm>>) dst(%arg6 : memref<32x768xf32, #tpu.memory_space<vmem>>)
    %add3A_110 = arith.constant 256 : i32
    %add3A_111 = arith.addi %add3A_110, %add3A : i32
    "tpu.region"() ({
      %run_scoped3A = tpu.sem_alloc : memref<!tpu.dma_semaphore, #tpu.memory_space<semaphore_mem>>
      %dma_start3A_143 = arith.constant 0 : i32
      %dma_start3A_144 = arith.constant 0 : i32
      %dma_start3A_145 = tpu.memref_slice %arg4[%add3A_111, %dma_start3A_143, %dma_start3A_144] : memref<384x32x768xf32, #tpu.memory_space<hbm>> -> memref<1x32x768xf32, #tpu.memory_space<hbm>>
      %dma_start3A_146 = tpu.memref_squeeze %dma_start3A_145 : memref<1x32x768xf32, #tpu.memory_space<hbm>> -> memref<32x768xf32, #tpu.memory_space<hbm>>
      %dma_start3A_147 = arith.constant 0 : i32
      %dma_start3A_148 = arith.constant 0 : i32
      %dma_start3A_149 = tpu.memref_slice %arg4[%add3A_111, %dma_start3A_147, %dma_start3A_148] : memref<384x32x768xf32, #tpu.memory_space<hbm>> -> memref<1x32x768xf32, #tpu.memory_space<hbm>>
      %dma_start3A_150 = tpu.memref_squeeze %dma_start3A_149 : memref<1x32x768xf32, #tpu.memory_space<hbm>> -> memref<32x768xf32, #tpu.memory_space<hbm>>
      tpu.enqueue_dma source(%arg6 : memref<32x768xf32, #tpu.memory_space<vmem>>) target(%dma_start3A_150 : memref<32x768xf32, #tpu.memory_space<hbm>>) target_semaphore(%run_scoped3A : memref<!tpu.dma_semaphore, #tpu.memory_space<semaphore_mem>>)
      %dma_wait3A_151 = arith.constant 0 : i32
      %dma_wait3A_152 = arith.constant 0 : i32
      %dma_wait3A_153 = tpu.memref_slice %arg4[%add3A_111, %dma_wait3A_151, %dma_wait3A_152] : memref<384x32x768xf32, #tpu.memory_space<hbm>> -> memref<1x32x768xf32, #tpu.memory_space<hbm>>
      %dma_wait3A_154 = tpu.memref_squeeze %dma_wait3A_153 : memref<1x32x768xf32, #tpu.memory_space<hbm>> -> memref<32x768xf32, #tpu.memory_space<hbm>>
      %dma_wait3A_155 = arith.constant 0 : i32
      %dma_wait3A_156 = arith.constant 0 : i32
      %dma_wait3A_157 = tpu.memref_slice %arg4[%add3A_111, %dma_wait3A_155, %dma_wait3A_156] : memref<384x32x768xf32, #tpu.memory_space<hbm>> -> memref<1x32x768xf32, #tpu.memory_space<hbm>>
      %dma_wait3A_158 = tpu.memref_squeeze %dma_wait3A_157 : memref<1x32x768xf32, #tpu.memory_space<hbm>> -> memref<32x768xf32, #tpu.memory_space<hbm>>
      tpu.wait_dma2 semaphore(%run_scoped3A : memref<!tpu.dma_semaphore, #tpu.memory_space<semaphore_mem>>) src(%arg6 : memref<32x768xf32, #tpu.memory_space<vmem>>) dst(%dma_wait3A_158 : memref<32x768xf32, #tpu.memory_space<hbm>>)
      tpu.yield
    }) : () -> ()
    %dma_start3A_112 = arith.constant 320 : i32
    %dma_start3A_113 = tpu.memref_slice %arg5[%dma_start3A_112] : memref<384xi32, #tpu.memory_space<vmem>> -> memref<32xi32, #tpu.memory_space<vmem>>
    %dma_start3A_114 = arith.constant 0 : i32
    %dma_start3A_115 = arith.constant 0 : i32
    %dma_start3A_116 = tpu.memref_slice %arg2[%dma_start3A_114, %dma_start3A_115] : memref<6000x768xf32, #tpu.memory_space<hbm>> -> memref<6000x768xf32, #tpu.memory_space<hbm>>
    tpu.enqueue_indirect_dma source(%dma_start3A_116 : memref<6000x768xf32, #tpu.memory_space<hbm>>) target(%arg6 : memref<32x768xf32, #tpu.memory_space<vmem>>) offsets(%dma_start3A_113 : memref<32xi32, #tpu.memory_space<vmem>>) semaphore(%arg8 : memref<!tpu.dma_semaphore, #tpu.memory_space<semaphore_mem>>)
    %dma_wait3A_117 = arith.constant 288 : i32
    %dma_wait3A_118 = tpu.memref_slice %arg5[%dma_wait3A_117] : memref<384xi32, #tpu.memory_space<vmem>> -> memref<32xi32, #tpu.memory_space<vmem>>
    %dma_wait3A_119 = arith.constant 0 : i32
    %dma_wait3A_120 = arith.constant 0 : i32
    %dma_wait3A_121 = tpu.memref_slice %arg2[%dma_wait3A_119, %dma_wait3A_120] : memref<6000x768xf32, #tpu.memory_space<hbm>> -> memref<6000x768xf32, #tpu.memory_space<hbm>>
    tpu.wait_indirect_dma semaphore(%arg9 : memref<!tpu.dma_semaphore, #tpu.memory_space<semaphore_mem>>) src(%dma_wait3A_121 : memref<6000x768xf32, #tpu.memory_space<hbm>>) dst(%arg7 : memref<32x768xf32, #tpu.memory_space<vmem>>)
    %add3A_122 = arith.constant 288 : i32
    %add3A_123 = arith.addi %add3A_122, %add3A : i32
    "tpu.region"() ({
      %run_scoped3A = tpu.sem_alloc : memref<!tpu.dma_semaphore, #tpu.memory_space<semaphore_mem>>
      %dma_start3A_143 = arith.constant 0 : i32
      %dma_start3A_144 = arith.constant 0 : i32
      %dma_start3A_145 = tpu.memref_slice %arg4[%add3A_123, %dma_start3A_143, %dma_start3A_144] : memref<384x32x768xf32, #tpu.memory_space<hbm>> -> memref<1x32x768xf32, #tpu.memory_space<hbm>>
      %dma_start3A_146 = tpu.memref_squeeze %dma_start3A_145 : memref<1x32x768xf32, #tpu.memory_space<hbm>> -> memref<32x768xf32, #tpu.memory_space<hbm>>
      %dma_start3A_147 = arith.constant 0 : i32
      %dma_start3A_148 = arith.constant 0 : i32
      %dma_start3A_149 = tpu.memref_slice %arg4[%add3A_123, %dma_start3A_147, %dma_start3A_148] : memref<384x32x768xf32, #tpu.memory_space<hbm>> -> memref<1x32x768xf32, #tpu.memory_space<hbm>>
      %dma_start3A_150 = tpu.memref_squeeze %dma_start3A_149 : memref<1x32x768xf32, #tpu.memory_space<hbm>> -> memref<32x768xf32, #tpu.memory_space<hbm>>
      tpu.enqueue_dma source(%arg7 : memref<32x768xf32, #tpu.memory_space<vmem>>) target(%dma_start3A_150 : memref<32x768xf32, #tpu.memory_space<hbm>>) target_semaphore(%run_scoped3A : memref<!tpu.dma_semaphore, #tpu.memory_space<semaphore_mem>>)
      %dma_wait3A_151 = arith.constant 0 : i32
      %dma_wait3A_152 = arith.constant 0 : i32
      %dma_wait3A_153 = tpu.memref_slice %arg4[%add3A_123, %dma_wait3A_151, %dma_wait3A_152] : memref<384x32x768xf32, #tpu.memory_space<hbm>> -> memref<1x32x768xf32, #tpu.memory_space<hbm>>
      %dma_wait3A_154 = tpu.memref_squeeze %dma_wait3A_153 : memref<1x32x768xf32, #tpu.memory_space<hbm>> -> memref<32x768xf32, #tpu.memory_space<hbm>>
      %dma_wait3A_155 = arith.constant 0 : i32
      %dma_wait3A_156 = arith.constant 0 : i32
      %dma_wait3A_157 = tpu.memref_slice %arg4[%add3A_123, %dma_wait3A_155, %dma_wait3A_156] : memref<384x32x768xf32, #tpu.memory_space<hbm>> -> memref<1x32x768xf32, #tpu.memory_space<hbm>>
      %dma_wait3A_158 = tpu.memref_squeeze %dma_wait3A_157 : memref<1x32x768xf32, #tpu.memory_space<hbm>> -> memref<32x768xf32, #tpu.memory_space<hbm>>
      tpu.wait_dma2 semaphore(%run_scoped3A : memref<!tpu.dma_semaphore, #tpu.memory_space<semaphore_mem>>) src(%arg7 : memref<32x768xf32, #tpu.memory_space<vmem>>) dst(%dma_wait3A_158 : memref<32x768xf32, #tpu.memory_space<hbm>>)
      tpu.yield
    }) : () -> ()
    %dma_start3A_124 = arith.constant 352 : i32
    %dma_start3A_125 = tpu.memref_slice %arg5[%dma_start3A_124] : memref<384xi32, #tpu.memory_space<vmem>> -> memref<32xi32, #tpu.memory_space<vmem>>
    %dma_start3A_126 = arith.constant 0 : i32
    %dma_start3A_127 = arith.constant 0 : i32
    %dma_start3A_128 = tpu.memref_slice %arg2[%dma_start3A_126, %dma_start3A_127] : memref<6000x768xf32, #tpu.memory_space<hbm>> -> memref<6000x768xf32, #tpu.memory_space<hbm>>
    tpu.enqueue_indirect_dma source(%dma_start3A_128 : memref<6000x768xf32, #tpu.memory_space<hbm>>) target(%arg7 : memref<32x768xf32, #tpu.memory_space<vmem>>) offsets(%dma_start3A_125 : memref<32xi32, #tpu.memory_space<vmem>>) semaphore(%arg9 : memref<!tpu.dma_semaphore, #tpu.memory_space<semaphore_mem>>)
    %dma_wait3A_129 = arith.constant 320 : i32
    %dma_wait3A_130 = tpu.memref_slice %arg5[%dma_wait3A_129] : memref<384xi32, #tpu.memory_space<vmem>> -> memref<32xi32, #tpu.memory_space<vmem>>
    %dma_wait3A_131 = arith.constant 0 : i32
    %dma_wait3A_132 = arith.constant 0 : i32
    %dma_wait3A_133 = tpu.memref_slice %arg2[%dma_wait3A_131, %dma_wait3A_132] : memref<6000x768xf32, #tpu.memory_space<hbm>> -> memref<6000x768xf32, #tpu.memory_space<hbm>>
    tpu.wait_indirect_dma semaphore(%arg8 : memref<!tpu.dma_semaphore, #tpu.memory_space<semaphore_mem>>) src(%dma_wait3A_133 : memref<6000x768xf32, #tpu.memory_space<hbm>>) dst(%arg6 : memref<32x768xf32, #tpu.memory_space<vmem>>)
    %add3A_134 = arith.constant 320 : i32
    %add3A_135 = arith.addi %add3A_134, %add3A : i32
    "tpu.region"() ({
      %run_scoped3A = tpu.sem_alloc : memref<!tpu.dma_semaphore, #tpu.memory_space<semaphore_mem>>
      %dma_start3A_143 = arith.constant 0 : i32
      %dma_start3A_144 = arith.constant 0 : i32
      %dma_start3A_145 = tpu.memref_slice %arg4[%add3A_135, %dma_start3A_143, %dma_start3A_144] : memref<384x32x768xf32, #tpu.memory_space<hbm>> -> memref<1x32x768xf32, #tpu.memory_space<hbm>>
      %dma_start3A_146 = tpu.memref_squeeze %dma_start3A_145 : memref<1x32x768xf32, #tpu.memory_space<hbm>> -> memref<32x768xf32, #tpu.memory_space<hbm>>
      %dma_start3A_147 = arith.constant 0 : i32
      %dma_start3A_148 = arith.constant 0 : i32
      %dma_start3A_149 = tpu.memref_slice %arg4[%add3A_135, %dma_start3A_147, %dma_start3A_148] : memref<384x32x768xf32, #tpu.memory_space<hbm>> -> memref<1x32x768xf32, #tpu.memory_space<hbm>>
      %dma_start3A_150 = tpu.memref_squeeze %dma_start3A_149 : memref<1x32x768xf32, #tpu.memory_space<hbm>> -> memref<32x768xf32, #tpu.memory_space<hbm>>
      tpu.enqueue_dma source(%arg6 : memref<32x768xf32, #tpu.memory_space<vmem>>) target(%dma_start3A_150 : memref<32x768xf32, #tpu.memory_space<hbm>>) target_semaphore(%run_scoped3A : memref<!tpu.dma_semaphore, #tpu.memory_space<semaphore_mem>>)
      %dma_wait3A_151 = arith.constant 0 : i32
      %dma_wait3A_152 = arith.constant 0 : i32
      %dma_wait3A_153 = tpu.memref_slice %arg4[%add3A_135, %dma_wait3A_151, %dma_wait3A_152] : memref<384x32x768xf32, #tpu.memory_space<hbm>> -> memref<1x32x768xf32, #tpu.memory_space<hbm>>
      %dma_wait3A_154 = tpu.memref_squeeze %dma_wait3A_153 : memref<1x32x768xf32, #tpu.memory_space<hbm>> -> memref<32x768xf32, #tpu.memory_space<hbm>>
      %dma_wait3A_155 = arith.constant 0 : i32
      %dma_wait3A_156 = arith.constant 0 : i32
      %dma_wait3A_157 = tpu.memref_slice %arg4[%add3A_135, %dma_wait3A_155, %dma_wait3A_156] : memref<384x32x768xf32, #tpu.memory_space<hbm>> -> memref<1x32x768xf32, #tpu.memory_space<hbm>>
      %dma_wait3A_158 = tpu.memref_squeeze %dma_wait3A_157 : memref<1x32x768xf32, #tpu.memory_space<hbm>> -> memref<32x768xf32, #tpu.memory_space<hbm>>
      tpu.wait_dma2 semaphore(%run_scoped3A : memref<!tpu.dma_semaphore, #tpu.memory_space<semaphore_mem>>) src(%arg6 : memref<32x768xf32, #tpu.memory_space<vmem>>) dst(%dma_wait3A_158 : memref<32x768xf32, #tpu.memory_space<hbm>>)
      tpu.yield
    }) : () -> ()
    %dma_wait3A_136 = arith.constant 352 : i32
    %dma_wait3A_137 = tpu.memref_slice %arg5[%dma_wait3A_136] : memref<384xi32, #tpu.memory_space<vmem>> -> memref<32xi32, #tpu.memory_space<vmem>>
    %dma_wait3A_138 = arith.constant 0 : i32
    %dma_wait3A_139 = arith.constant 0 : i32
    %dma_wait3A_140 = tpu.memref_slice %arg2[%dma_wait3A_138, %dma_wait3A_139] : memref<6000x768xf32, #tpu.memory_space<hbm>> -> memref<6000x768xf32, #tpu.memory_space<hbm>>
    tpu.wait_indirect_dma semaphore(%arg9 : memref<!tpu.dma_semaphore, #tpu.memory_space<semaphore_mem>>) src(%dma_wait3A_140 : memref<6000x768xf32, #tpu.memory_space<hbm>>) dst(%arg7 : memref<32x768xf32, #tpu.memory_space<vmem>>)
    %add3A_141 = arith.constant 352 : i32
    %add3A_142 = arith.addi %add3A_141, %add3A : i32
    "tpu.region"() ({
      %run_scoped3A = tpu.sem_alloc : memref<!tpu.dma_semaphore, #tpu.memory_space<semaphore_mem>>
      %dma_start3A_143 = arith.constant 0 : i32
      %dma_start3A_144 = arith.constant 0 : i32
      %dma_start3A_145 = tpu.memref_slice %arg4[%add3A_142, %dma_start3A_143, %dma_start3A_144] : memref<384x32x768xf32, #tpu.memory_space<hbm>> -> memref<1x32x768xf32, #tpu.memory_space<hbm>>
      %dma_start3A_146 = tpu.memref_squeeze %dma_start3A_145 : memref<1x32x768xf32, #tpu.memory_space<hbm>> -> memref<32x768xf32, #tpu.memory_space<hbm>>
      %dma_start3A_147 = arith.constant 0 : i32
      %dma_start3A_148 = arith.constant 0 : i32
      %dma_start3A_149 = tpu.memref_slice %arg4[%add3A_142, %dma_start3A_147, %dma_start3A_148] : memref<384x32x768xf32, #tpu.memory_space<hbm>> -> memref<1x32x768xf32, #tpu.memory_space<hbm>>
      %dma_start3A_150 = tpu.memref_squeeze %dma_start3A_149 : memref<1x32x768xf32, #tpu.memory_space<hbm>> -> memref<32x768xf32, #tpu.memory_space<hbm>>
      tpu.enqueue_dma source(%arg7 : memref<32x768xf32, #tpu.memory_space<vmem>>) target(%dma_start3A_150 : memref<32x768xf32, #tpu.memory_space<hbm>>) target_semaphore(%run_scoped3A : memref<!tpu.dma_semaphore, #tpu.memory_space<semaphore_mem>>)
      %dma_wait3A_151 = arith.constant 0 : i32
      %dma_wait3A_152 = arith.constant 0 : i32
      %dma_wait3A_153 = tpu.memref_slice %arg4[%add3A_142, %dma_wait3A_151, %dma_wait3A_152] : memref<384x32x768xf32, #tpu.memory_space<hbm>> -> memref<1x32x768xf32, #tpu.memory_space<hbm>>
      %dma_wait3A_154 = tpu.memref_squeeze %dma_wait3A_153 : memref<1x32x768xf32, #tpu.memory_space<hbm>> -> memref<32x768xf32, #tpu.memory_space<hbm>>
      %dma_wait3A_155 = arith.constant 0 : i32
      %dma_wait3A_156 = arith.constant 0 : i32
      %dma_wait3A_157 = tpu.memref_slice %arg4[%add3A_142, %dma_wait3A_155, %dma_wait3A_156] : memref<384x32x768xf32, #tpu.memory_space<hbm>> -> memref<1x32x768xf32, #tpu.memory_space<hbm>>
      %dma_wait3A_158 = tpu.memref_squeeze %dma_wait3A_157 : memref<1x32x768xf32, #tpu.memory_space<hbm>> -> memref<32x768xf32, #tpu.memory_space<hbm>>
      tpu.wait_dma2 semaphore(%run_scoped3A : memref<!tpu.dma_semaphore, #tpu.memory_space<semaphore_mem>>) src(%arg7 : memref<32x768xf32, #tpu.memory_space<vmem>>) dst(%dma_wait3A_158 : memref<32x768xf32, #tpu.memory_space<hbm>>)
      tpu.yield
    }) : () -> ()
    return
  }
}

module attributes {stable_mosaic.version = 14 : i64} {
  func.func @_route_body(%arg0: memref<32x1x768xf32, #tpu.memory_space<vmem>>, %arg1: memref<100x768xf32, #tpu.memory_space<vmem>>, %arg2: memref<100x768xf32, #tpu.memory_space<vmem>>, %arg3: memref<32x100xf32, #tpu.memory_space<vmem>>, %arg4: memref<32x100xf32, #tpu.memory_space<vmem>>, %arg5: memref<32x5xi32, #tpu.memory_space<vmem>>, %arg6: memref<32x5xi32, #tpu.memory_space<vmem>>, %arg7: memref<32x384xi32, #tpu.memory_space<vmem>>, %arg8: memref<1x1xf32, #tpu.memory_space<vmem>>, %arg9: memref<1x1xf32, #tpu.memory_space<vmem>>) attributes {dimension_semantics = [], scalar_prefetch = 0 : i64, scratch_operands = 0 : i64, tpu.core_type = #tpu.core_type<tc>} {
    %get3A = arith.constant 0 : index
    %get3A_0 = arith.constant 0 : index
    %get3A_1 = arith.constant 0 : index
    %get3A_2 = vector.load %arg0[%get3A, %get3A_0, %get3A_1] : memref<32x1x768xf32, #tpu.memory_space<vmem>>, vector<32x1x768xf32>
    %reshape3A = vector.shape_cast %get3A_2 : vector<32x1x768xf32> to vector<32x768xf32>
    %mul3A = arith.mulf %reshape3A, %reshape3A : vector<32x768xf32>
    %reduce_sum3A = arith.constant dense<0.000000e+00> : vector<32xf32>
    %reduce_sum3A_3 = vector.multi_reduction <add>, %mul3A, %reduce_sum3A [1] : vector<32x768xf32> to vector<32xf32>
    %broadcast_in_dim3A = vector.shape_cast %reduce_sum3A_3 : vector<32xf32> to vector<32x1xf32>
    %max3A = arith.constant 9.99999996E-13 : f32
    %max3A_4 = vector.broadcast %max3A : f32 to vector<32x1xf32>
    %max3A_5 = arith.maximumf %broadcast_in_dim3A, %max3A_4 : vector<32x1xf32>
    %rsqrt3A = math.rsqrt %max3A_5 : vector<32x1xf32>
    %mul3A_6 = vector.broadcast %rsqrt3A : vector<32x1xf32> to vector<32x768xf32>
    %mul3A_7 = arith.mulf %reshape3A, %mul3A_6 : vector<32x768xf32>
    %iota3A = tpu.iota {dimensions = array<i32: 1>} : vector<32x100xi32>
    %iota3A_8 = tpu.iota {dimensions = array<i32: 1>} : vector<32x5xi32>
    %iota3A_9 = tpu.iota {dimensions = array<i32: 1>} : vector<32x384xi32>
    %jit3A = arith.constant 32 : i32
    %div3A = vector.broadcast %jit3A : i32 to vector<32x384xi32>
    %div3A_10 = arith.divsi %iota3A_9, %div3A : vector<32x384xi32>
    %sign3A = arith.constant 0 : i32
    %sign3A_11 = vector.broadcast %sign3A : i32 to vector<32x384xi32>
    %sign3A_12 = arith.cmpi sgt, %iota3A_9, %sign3A_11 : vector<32x384xi32>
    %sign3A_13 = arith.extui %sign3A_12 : vector<32x384xi1> to vector<32x384xi32>
    %sign3A_14 = arith.constant 0 : i32
    %sign3A_15 = vector.broadcast %sign3A_14 : i32 to vector<32x384xi32>
    %sign3A_16 = arith.cmpi slt, %iota3A_9, %sign3A_15 : vector<32x384xi32>
    %sign3A_17 = arith.extui %sign3A_16 : vector<32x384xi1> to vector<32x384xi32>
    %sign3A_18 = arith.subi %sign3A_13, %sign3A_17 : vector<32x384xi32>
    %sign3A_19 = arith.constant 0 : i32
    %sign3A_20 = arith.cmpi sgt, %jit3A, %sign3A_19 : i32
    %sign3A_21 = arith.extui %sign3A_20 : i1 to i32
    %sign3A_22 = arith.constant 0 : i32
    %sign3A_23 = arith.cmpi slt, %jit3A, %sign3A_22 : i32
    %sign3A_24 = arith.extui %sign3A_23 : i1 to i32
    %sign3A_25 = arith.subi %sign3A_21, %sign3A_24 : i32
    %ne3A = vector.broadcast %sign3A_25 : i32 to vector<32x384xi32>
    %ne3A_26 = arith.cmpi ne, %sign3A_18, %ne3A : vector<32x384xi32>
    %rem3A = vector.broadcast %jit3A : i32 to vector<32x384xi32>
    %rem3A_27 = arith.remsi %iota3A_9, %rem3A : vector<32x384xi32>
    %ne3A_28 = arith.constant 0 : i32
    %ne3A_29 = vector.broadcast %ne3A_28 : i32 to vector<32x384xi32>
    %ne3A_30 = arith.cmpi ne, %rem3A_27, %ne3A_29 : vector<32x384xi32>
    %and3A = arith.andi %ne3A_26, %ne3A_30 : vector<32x384xi1>
    %sub3A = arith.constant 1 : i32
    %sub3A_31 = vector.broadcast %sub3A : i32 to vector<32x384xi32>
    %sub3A_32 = arith.subi %div3A_10, %sub3A_31 : vector<32x384xi32>
    %select_n3A = arith.select %and3A, %sub3A_32, %div3A_10 : vector<32x384xi1>, vector<32x384xi32>
    %mul3A_33 = arith.constant 32 : i32
    %mul3A_34 = vector.broadcast %mul3A_33 : i32 to vector<32x384xi32>
    %mul3A_35 = arith.muli %select_n3A, %mul3A_34 : vector<32x384xi32>
    %sub3A_36 = arith.subi %iota3A_9, %mul3A_35 : vector<32x384xi32>
    %jit3A_37 = arith.constant 5 : i32
    %div3A_38 = vector.broadcast %jit3A_37 : i32 to vector<32x384xi32>
    %div3A_39 = arith.divsi %sub3A_36, %div3A_38 : vector<32x384xi32>
    %sign3A_40 = arith.constant 0 : i32
    %sign3A_41 = vector.broadcast %sign3A_40 : i32 to vector<32x384xi32>
    %sign3A_42 = arith.cmpi sgt, %sub3A_36, %sign3A_41 : vector<32x384xi32>
    %sign3A_43 = arith.extui %sign3A_42 : vector<32x384xi1> to vector<32x384xi32>
    %sign3A_44 = arith.constant 0 : i32
    %sign3A_45 = vector.broadcast %sign3A_44 : i32 to vector<32x384xi32>
    %sign3A_46 = arith.cmpi slt, %sub3A_36, %sign3A_45 : vector<32x384xi32>
    %sign3A_47 = arith.extui %sign3A_46 : vector<32x384xi1> to vector<32x384xi32>
    %sign3A_48 = arith.subi %sign3A_43, %sign3A_47 : vector<32x384xi32>
    %sign3A_49 = arith.constant 0 : i32
    %sign3A_50 = arith.cmpi sgt, %jit3A_37, %sign3A_49 : i32
    %sign3A_51 = arith.extui %sign3A_50 : i1 to i32
    %sign3A_52 = arith.constant 0 : i32
    %sign3A_53 = arith.cmpi slt, %jit3A_37, %sign3A_52 : i32
    %sign3A_54 = arith.extui %sign3A_53 : i1 to i32
    %sign3A_55 = arith.subi %sign3A_51, %sign3A_54 : i32
    %ne3A_56 = vector.broadcast %sign3A_55 : i32 to vector<32x384xi32>
    %ne3A_57 = arith.cmpi ne, %sign3A_48, %ne3A_56 : vector<32x384xi32>
    %rem3A_58 = vector.broadcast %jit3A_37 : i32 to vector<32x384xi32>
    %rem3A_59 = arith.remsi %sub3A_36, %rem3A_58 : vector<32x384xi32>
    %ne3A_60 = arith.constant 0 : i32
    %ne3A_61 = vector.broadcast %ne3A_60 : i32 to vector<32x384xi32>
    %ne3A_62 = arith.cmpi ne, %rem3A_59, %ne3A_61 : vector<32x384xi32>
    %and3A_63 = arith.andi %ne3A_57, %ne3A_62 : vector<32x384xi1>
    %sub3A_64 = arith.constant 1 : i32
    %sub3A_65 = vector.broadcast %sub3A_64 : i32 to vector<32x384xi32>
    %sub3A_66 = arith.subi %div3A_39, %sub3A_65 : vector<32x384xi32>
    %select_n3A_67 = arith.select %and3A_63, %sub3A_66, %div3A_39 : vector<32x384xi1>, vector<32x384xi32>
    %mul3A_68 = arith.constant 5 : i32
    %mul3A_69 = vector.broadcast %mul3A_68 : i32 to vector<32x384xi32>
    %mul3A_70 = arith.muli %select_n3A_67, %mul3A_69 : vector<32x384xi32>
    %sub3A_71 = arith.subi %sub3A_36, %mul3A_70 : vector<32x384xi32>
    %get3A_72 = arith.constant 0 : index
    %get3A_73 = arith.constant 0 : index
    %get3A_74 = vector.load %arg1[%get3A_72, %get3A_73] : memref<100x768xf32, #tpu.memory_space<vmem>>, vector<100x768xf32>
    %mul3A_75 = arith.mulf %get3A_74, %get3A_74 : vector<100x768xf32>
    %reduce_sum3A_76 = arith.constant dense<0.000000e+00> : vector<100xf32>
    %reduce_sum3A_77 = vector.multi_reduction <add>, %mul3A_75, %reduce_sum3A_76 [1] : vector<100x768xf32> to vector<100xf32>
    %broadcast_in_dim3A_78 = vector.shape_cast %reduce_sum3A_77 : vector<100xf32> to vector<100x1xf32>
    %max3A_79 = arith.constant 9.99999996E-13 : f32
    %max3A_80 = vector.broadcast %max3A_79 : f32 to vector<100x1xf32>
    %max3A_81 = arith.maximumf %broadcast_in_dim3A_78, %max3A_80 : vector<100x1xf32>
    %rsqrt3A_82 = math.rsqrt %max3A_81 : vector<100x1xf32>
    %mul3A_83 = vector.broadcast %rsqrt3A_82 : vector<100x1xf32> to vector<100x768xf32>
    %mul3A_84 = arith.mulf %get3A_74, %mul3A_83 : vector<100x768xf32>
    %dot_general3A = arith.constant dense<0.000000e+00> : vector<32x100xf32>
    %dot_general3A_85 = tpu.matmul %mul3A_7, %mul3A_84, %dot_general3A {dimension_numbers = #tpu.dot_dimension_numbers<[1], [1], [0], [0], [0, 0, 1, 0], [], []>, transpose_lhs_hint = false} : vector<32x768xf32>, vector<100x768xf32>, vector<32x100xf32> -> vector<32x100xf32>
    %swap3A = arith.constant 0 : index
    %swap3A_86 = arith.constant 0 : index
    %swap3A_87 = vector.load %arg3[%swap3A, %swap3A_86] : memref<32x100xf32, #tpu.memory_space<vmem>>, vector<32x100xf32>
    tpu.vector_store %arg3[%swap3A, %swap3A_86], %dot_general3A_85 {strides = array<i32>} : memref<32x100xf32, #tpu.memory_space<vmem>>, vector<32x100xf32>,
    %broadcast_in_dim3A_88 = arith.constant 0.000000e+00 : f32
    %broadcast_in_dim3A_89 = vector.broadcast %broadcast_in_dim3A_88 : f32 to vector<32x1xf32>
    %broadcast_in_dim3A_90 = arith.constant 0 : i32
    %broadcast_in_dim3A_91 = vector.broadcast %broadcast_in_dim3A_90 : i32 to vector<32x5xi32>
    %broadcast_in_dim3A_92 = arith.constant 0 : i32
    %broadcast_in_dim3A_93 = vector.broadcast %broadcast_in_dim3A_92 : i32 to vector<32x384xi32>
    %reduce_max3A = arith.constant dense<0xFF800000> : vector<32xf32>
    %reduce_max3A_94 = vector.multi_reduction <maximumf>, %dot_general3A_85, %reduce_max3A [1] : vector<32x100xf32> to vector<32xf32>
    %broadcast_in_dim3A_95 = vector.shape_cast %reduce_max3A_94 : vector<32xf32> to vector<32x1xf32>
    %eq3A = vector.broadcast %broadcast_in_dim3A_95 : vector<32x1xf32> to vector<32x100xf32>
    %eq3A_96 = arith.cmpf oeq, %dot_general3A_85, %eq3A : vector<32x100xf32>
    %jit3A_97 = arith.constant 100 : i32
    %broadcast_in_dim3A_98 = vector.broadcast %jit3A_97 : i32 to vector<32x100xi32>
    %select_n3A_99 = arith.select %eq3A_96, %iota3A, %broadcast_in_dim3A_98 : vector<32x100xi1>, vector<32x100xi32>
    %reduce_min3A = arith.constant dense<2147483647> : vector<32xi32>
    %reduce_min3A_100 = vector.multi_reduction <minsi>, %select_n3A_99, %reduce_min3A [1] : vector<32x100xi32> to vector<32xi32>
    %broadcast_in_dim3A_101 = vector.shape_cast %reduce_min3A_100 : vector<32xi32> to vector<32x1xi32>
    %eq3A_102 = arith.constant 0 : i32
    %eq3A_103 = vector.broadcast %eq3A_102 : i32 to vector<32x5xi32>
    %eq3A_104 = arith.cmpi eq, %iota3A_8, %eq3A_103 : vector<32x5xi32>
    %broadcast_in_dim3A_105 = vector.shape_cast %broadcast_in_dim3A_101 : vector<32x1xi32> to vector<32x1xi32>
    %broadcast_in_dim3A_106 = vector.broadcast %broadcast_in_dim3A_105 : vector<32x1xi32> to vector<32x5xi32>
    %select_n3A_107 = arith.select %eq3A_104, %broadcast_in_dim3A_106, %broadcast_in_dim3A_91 : vector<32x5xi1>, vector<32x5xi32>
    %eq3A_108 = arith.constant 0 : i32
    %eq3A_109 = vector.broadcast %eq3A_108 : i32 to vector<32x384xi32>
    %eq3A_110 = arith.cmpi eq, %select_n3A_67, %eq3A_109 : vector<32x384xi32>
    %broadcast_in_dim3A_111 = vector.shape_cast %broadcast_in_dim3A_101 : vector<32x1xi32> to vector<32x1xi32>
    %broadcast_in_dim3A_112 = vector.broadcast %broadcast_in_dim3A_111 : vector<32x1xi32> to vector<32x384xi32>
    %select_n3A_113 = arith.select %eq3A_110, %broadcast_in_dim3A_112, %broadcast_in_dim3A_93 : vector<32x384xi1>, vector<32x384xi32>
    %add3A = arith.addf %broadcast_in_dim3A_89, %broadcast_in_dim3A_95 : vector<32x1xf32>
    %eq3A_114 = vector.broadcast %broadcast_in_dim3A_101 : vector<32x1xi32> to vector<32x100xi32>
    %eq3A_115 = arith.cmpi eq, %iota3A, %eq3A_114 : vector<32x100xi32>
    %jit3A_116 = arith.constant -3.000000e+38 : f32
    %broadcast_in_dim3A_117 = vector.broadcast %jit3A_116 : f32 to vector<32x100xf32>
    %select_n3A_118 = arith.select %eq3A_115, %broadcast_in_dim3A_117, %dot_general3A_85 : vector<32x100xi1>, vector<32x100xf32>
    %reduce_max3A_119 = arith.constant dense<0xFF800000> : vector<32xf32>
    %reduce_max3A_120 = vector.multi_reduction <maximumf>, %select_n3A_118, %reduce_max3A_119 [1] : vector<32x100xf32> to vector<32xf32>
    %broadcast_in_dim3A_121 = vector.shape_cast %reduce_max3A_120 : vector<32xf32> to vector<32x1xf32>
    %eq3A_122 = vector.broadcast %broadcast_in_dim3A_121 : vector<32x1xf32> to vector<32x100xf32>
    %eq3A_123 = arith.cmpf oeq, %select_n3A_118, %eq3A_122 : vector<32x100xf32>
    %jit3A_124 = arith.constant 100 : i32
    %broadcast_in_dim3A_125 = vector.broadcast %jit3A_124 : i32 to vector<32x100xi32>
    %select_n3A_126 = arith.select %eq3A_123, %iota3A, %broadcast_in_dim3A_125 : vector<32x100xi1>, vector<32x100xi32>
    %reduce_min3A_127 = arith.constant dense<2147483647> : vector<32xi32>
    %reduce_min3A_128 = vector.multi_reduction <minsi>, %select_n3A_126, %reduce_min3A_127 [1] : vector<32x100xi32> to vector<32xi32>
    %broadcast_in_dim3A_129 = vector.shape_cast %reduce_min3A_128 : vector<32xi32> to vector<32x1xi32>
    %eq3A_130 = arith.constant 1 : i32
    %eq3A_131 = vector.broadcast %eq3A_130 : i32 to vector<32x5xi32>
    %eq3A_132 = arith.cmpi eq, %iota3A_8, %eq3A_131 : vector<32x5xi32>
    %broadcast_in_dim3A_133 = vector.shape_cast %broadcast_in_dim3A_129 : vector<32x1xi32> to vector<32x1xi32>
    %broadcast_in_dim3A_134 = vector.broadcast %broadcast_in_dim3A_133 : vector<32x1xi32> to vector<32x5xi32>
    %select_n3A_135 = arith.select %eq3A_132, %broadcast_in_dim3A_134, %select_n3A_107 : vector<32x5xi1>, vector<32x5xi32>
    %eq3A_136 = arith.constant 1 : i32
    %eq3A_137 = vector.broadcast %eq3A_136 : i32 to vector<32x384xi32>
    %eq3A_138 = arith.cmpi eq, %select_n3A_67, %eq3A_137 : vector<32x384xi32>
    %broadcast_in_dim3A_139 = vector.shape_cast %broadcast_in_dim3A_129 : vector<32x1xi32> to vector<32x1xi32>
    %broadcast_in_dim3A_140 = vector.broadcast %broadcast_in_dim3A_139 : vector<32x1xi32> to vector<32x384xi32>
    %select_n3A_141 = arith.select %eq3A_138, %broadcast_in_dim3A_140, %select_n3A_113 : vector<32x384xi1>, vector<32x384xi32>
    %add3A_142 = arith.addf %add3A, %broadcast_in_dim3A_121 : vector<32x1xf32>
    %eq3A_143 = vector.broadcast %broadcast_in_dim3A_129 : vector<32x1xi32> to vector<32x100xi32>
    %eq3A_144 = arith.cmpi eq, %iota3A, %eq3A_143 : vector<32x100xi32>
    %jit3A_145 = arith.constant -3.000000e+38 : f32
    %broadcast_in_dim3A_146 = vector.broadcast %jit3A_145 : f32 to vector<32x100xf32>
    %select_n3A_147 = arith.select %eq3A_144, %broadcast_in_dim3A_146, %select_n3A_118 : vector<32x100xi1>, vector<32x100xf32>
    %reduce_max3A_148 = arith.constant dense<0xFF800000> : vector<32xf32>
    %reduce_max3A_149 = vector.multi_reduction <maximumf>, %select_n3A_147, %reduce_max3A_148 [1] : vector<32x100xf32> to vector<32xf32>
    %broadcast_in_dim3A_150 = vector.shape_cast %reduce_max3A_149 : vector<32xf32> to vector<32x1xf32>
    %eq3A_151 = vector.broadcast %broadcast_in_dim3A_150 : vector<32x1xf32> to vector<32x100xf32>
    %eq3A_152 = arith.cmpf oeq, %select_n3A_147, %eq3A_151 : vector<32x100xf32>
    %jit3A_153 = arith.constant 100 : i32
    %broadcast_in_dim3A_154 = vector.broadcast %jit3A_153 : i32 to vector<32x100xi32>
    %select_n3A_155 = arith.select %eq3A_152, %iota3A, %broadcast_in_dim3A_154 : vector<32x100xi1>, vector<32x100xi32>
    %reduce_min3A_156 = arith.constant dense<2147483647> : vector<32xi32>
    %reduce_min3A_157 = vector.multi_reduction <minsi>, %select_n3A_155, %reduce_min3A_156 [1] : vector<32x100xi32> to vector<32xi32>
    %broadcast_in_dim3A_158 = vector.shape_cast %reduce_min3A_157 : vector<32xi32> to vector<32x1xi32>
    %eq3A_159 = arith.constant 2 : i32
    %eq3A_160 = vector.broadcast %eq3A_159 : i32 to vector<32x5xi32>
    %eq3A_161 = arith.cmpi eq, %iota3A_8, %eq3A_160 : vector<32x5xi32>
    %broadcast_in_dim3A_162 = vector.shape_cast %broadcast_in_dim3A_158 : vector<32x1xi32> to vector<32x1xi32>
    %broadcast_in_dim3A_163 = vector.broadcast %broadcast_in_dim3A_162 : vector<32x1xi32> to vector<32x5xi32>
    %select_n3A_164 = arith.select %eq3A_161, %broadcast_in_dim3A_163, %select_n3A_135 : vector<32x5xi1>, vector<32x5xi32>
    %eq3A_165 = arith.constant 2 : i32
    %eq3A_166 = vector.broadcast %eq3A_165 : i32 to vector<32x384xi32>
    %eq3A_167 = arith.cmpi eq, %select_n3A_67, %eq3A_166 : vector<32x384xi32>
    %broadcast_in_dim3A_168 = vector.shape_cast %broadcast_in_dim3A_158 : vector<32x1xi32> to vector<32x1xi32>
    %broadcast_in_dim3A_169 = vector.broadcast %broadcast_in_dim3A_168 : vector<32x1xi32> to vector<32x384xi32>
    %select_n3A_170 = arith.select %eq3A_167, %broadcast_in_dim3A_169, %select_n3A_141 : vector<32x384xi1>, vector<32x384xi32>
    %add3A_171 = arith.addf %add3A_142, %broadcast_in_dim3A_150 : vector<32x1xf32>
    %eq3A_172 = vector.broadcast %broadcast_in_dim3A_158 : vector<32x1xi32> to vector<32x100xi32>
    %eq3A_173 = arith.cmpi eq, %iota3A, %eq3A_172 : vector<32x100xi32>
    %jit3A_174 = arith.constant -3.000000e+38 : f32
    %broadcast_in_dim3A_175 = vector.broadcast %jit3A_174 : f32 to vector<32x100xf32>
    %select_n3A_176 = arith.select %eq3A_173, %broadcast_in_dim3A_175, %select_n3A_147 : vector<32x100xi1>, vector<32x100xf32>
    %reduce_max3A_177 = arith.constant dense<0xFF800000> : vector<32xf32>
    %reduce_max3A_178 = vector.multi_reduction <maximumf>, %select_n3A_176, %reduce_max3A_177 [1] : vector<32x100xf32> to vector<32xf32>
    %broadcast_in_dim3A_179 = vector.shape_cast %reduce_max3A_178 : vector<32xf32> to vector<32x1xf32>
    %eq3A_180 = vector.broadcast %broadcast_in_dim3A_179 : vector<32x1xf32> to vector<32x100xf32>
    %eq3A_181 = arith.cmpf oeq, %select_n3A_176, %eq3A_180 : vector<32x100xf32>
    %jit3A_182 = arith.constant 100 : i32
    %broadcast_in_dim3A_183 = vector.broadcast %jit3A_182 : i32 to vector<32x100xi32>
    %select_n3A_184 = arith.select %eq3A_181, %iota3A, %broadcast_in_dim3A_183 : vector<32x100xi1>, vector<32x100xi32>
    %reduce_min3A_185 = arith.constant dense<2147483647> : vector<32xi32>
    %reduce_min3A_186 = vector.multi_reduction <minsi>, %select_n3A_184, %reduce_min3A_185 [1] : vector<32x100xi32> to vector<32xi32>
    %broadcast_in_dim3A_187 = vector.shape_cast %reduce_min3A_186 : vector<32xi32> to vector<32x1xi32>
    %eq3A_188 = arith.constant 3 : i32
    %eq3A_189 = vector.broadcast %eq3A_188 : i32 to vector<32x5xi32>
    %eq3A_190 = arith.cmpi eq, %iota3A_8, %eq3A_189 : vector<32x5xi32>
    %broadcast_in_dim3A_191 = vector.shape_cast %broadcast_in_dim3A_187 : vector<32x1xi32> to vector<32x1xi32>
    %broadcast_in_dim3A_192 = vector.broadcast %broadcast_in_dim3A_191 : vector<32x1xi32> to vector<32x5xi32>
    %select_n3A_193 = arith.select %eq3A_190, %broadcast_in_dim3A_192, %select_n3A_164 : vector<32x5xi1>, vector<32x5xi32>
    %eq3A_194 = arith.constant 3 : i32
    %eq3A_195 = vector.broadcast %eq3A_194 : i32 to vector<32x384xi32>
    %eq3A_196 = arith.cmpi eq, %select_n3A_67, %eq3A_195 : vector<32x384xi32>
    %broadcast_in_dim3A_197 = vector.shape_cast %broadcast_in_dim3A_187 : vector<32x1xi32> to vector<32x1xi32>
    %broadcast_in_dim3A_198 = vector.broadcast %broadcast_in_dim3A_197 : vector<32x1xi32> to vector<32x384xi32>
    %select_n3A_199 = arith.select %eq3A_196, %broadcast_in_dim3A_198, %select_n3A_170 : vector<32x384xi1>, vector<32x384xi32>
    %add3A_200 = arith.addf %add3A_171, %broadcast_in_dim3A_179 : vector<32x1xf32>
    %eq3A_201 = vector.broadcast %broadcast_in_dim3A_187 : vector<32x1xi32> to vector<32x100xi32>
    %eq3A_202 = arith.cmpi eq, %iota3A, %eq3A_201 : vector<32x100xi32>
    %jit3A_203 = arith.constant -3.000000e+38 : f32
    %broadcast_in_dim3A_204 = vector.broadcast %jit3A_203 : f32 to vector<32x100xf32>
    %select_n3A_205 = arith.select %eq3A_202, %broadcast_in_dim3A_204, %select_n3A_176 : vector<32x100xi1>, vector<32x100xf32>
    %reduce_max3A_206 = arith.constant dense<0xFF800000> : vector<32xf32>
    %reduce_max3A_207 = vector.multi_reduction <maximumf>, %select_n3A_205, %reduce_max3A_206 [1] : vector<32x100xf32> to vector<32xf32>
    %broadcast_in_dim3A_208 = vector.shape_cast %reduce_max3A_207 : vector<32xf32> to vector<32x1xf32>
    %eq3A_209 = vector.broadcast %broadcast_in_dim3A_208 : vector<32x1xf32> to vector<32x100xf32>
    %eq3A_210 = arith.cmpf oeq, %select_n3A_205, %eq3A_209 : vector<32x100xf32>
    %jit3A_211 = arith.constant 100 : i32
    %broadcast_in_dim3A_212 = vector.broadcast %jit3A_211 : i32 to vector<32x100xi32>
    %select_n3A_213 = arith.select %eq3A_210, %iota3A, %broadcast_in_dim3A_212 : vector<32x100xi1>, vector<32x100xi32>
    %reduce_min3A_214 = arith.constant dense<2147483647> : vector<32xi32>
    %reduce_min3A_215 = vector.multi_reduction <minsi>, %select_n3A_213, %reduce_min3A_214 [1] : vector<32x100xi32> to vector<32xi32>
    %broadcast_in_dim3A_216 = vector.shape_cast %reduce_min3A_215 : vector<32xi32> to vector<32x1xi32>
    %eq3A_217 = arith.constant 4 : i32
    %eq3A_218 = vector.broadcast %eq3A_217 : i32 to vector<32x5xi32>
    %eq3A_219 = arith.cmpi eq, %iota3A_8, %eq3A_218 : vector<32x5xi32>
    %broadcast_in_dim3A_220 = vector.shape_cast %broadcast_in_dim3A_216 : vector<32x1xi32> to vector<32x1xi32>
    %broadcast_in_dim3A_221 = vector.broadcast %broadcast_in_dim3A_220 : vector<32x1xi32> to vector<32x5xi32>
    %select_n3A_222 = arith.select %eq3A_219, %broadcast_in_dim3A_221, %select_n3A_193 : vector<32x5xi1>, vector<32x5xi32>
    %eq3A_223 = arith.constant 4 : i32
    %eq3A_224 = vector.broadcast %eq3A_223 : i32 to vector<32x384xi32>
    %eq3A_225 = arith.cmpi eq, %select_n3A_67, %eq3A_224 : vector<32x384xi32>
    %broadcast_in_dim3A_226 = vector.shape_cast %broadcast_in_dim3A_216 : vector<32x1xi32> to vector<32x1xi32>
    %broadcast_in_dim3A_227 = vector.broadcast %broadcast_in_dim3A_226 : vector<32x1xi32> to vector<32x384xi32>
    %select_n3A_228 = arith.select %eq3A_225, %broadcast_in_dim3A_227, %select_n3A_199 : vector<32x384xi1>, vector<32x384xi32>
    %add3A_229 = arith.addf %add3A_200, %broadcast_in_dim3A_208 : vector<32x1xf32>
    %swap3A_230 = arith.constant 0 : index
    %swap3A_231 = arith.constant 0 : index
    %swap3A_232 = vector.load %arg5[%swap3A_230, %swap3A_231] : memref<32x5xi32, #tpu.memory_space<vmem>>, vector<32x5xi32>
    tpu.vector_store %arg5[%swap3A_230, %swap3A_231], %select_n3A_222 {strides = array<i32>} : memref<32x5xi32, #tpu.memory_space<vmem>>, vector<32x5xi32>,
    %mul3A_233 = arith.constant 500 : i32
    %mul3A_234 = vector.broadcast %mul3A_233 : i32 to vector<32x384xi32>
    %mul3A_235 = arith.muli %select_n3A, %mul3A_234 : vector<32x384xi32>
    %mul3A_236 = arith.constant 5 : i32
    %mul3A_237 = vector.broadcast %mul3A_236 : i32 to vector<32x384xi32>
    %mul3A_238 = arith.muli %select_n3A_228, %mul3A_237 : vector<32x384xi32>
    %add3A_239 = arith.addi %mul3A_235, %mul3A_238 : vector<32x384xi32>
    %add3A_240 = arith.addi %add3A_239, %sub3A_71 : vector<32x384xi32>
    %swap3A_241 = arith.constant 0 : index
    %swap3A_242 = arith.constant 0 : index
    %swap3A_243 = vector.load %arg7[%swap3A_241, %swap3A_242] : memref<32x384xi32, #tpu.memory_space<vmem>>, vector<32x384xi32>
    tpu.vector_store %arg7[%swap3A_241, %swap3A_242], %add3A_240 {strides = array<i32>} : memref<32x384xi32, #tpu.memory_space<vmem>>, vector<32x384xi32>,
    %reduce_sum3A_244 = vector.shape_cast %add3A_229 : vector<32x1xf32> to vector<1x32x1xf32>
    %reduce_sum3A_245 = arith.constant dense<0.000000e+00> : vector<1xf32>
    %reduce_sum3A_246 = vector.multi_reduction <add>, %reduce_sum3A_244, %reduce_sum3A_245 [1, 2] : vector<1x32x1xf32> to vector<1xf32>
    %reduce_sum3A_247 = vector.shape_cast %reduce_sum3A_246 : vector<1xf32> to vector<1x1x1xf32>
    %reduce_sum3A_248 = vector.extract %reduce_sum3A_247[0, 0, 0] : f32 from vector<1x1x1xf32>
    %broadcast_in_dim3A_249 = vector.broadcast %reduce_sum3A_248 : f32 to vector<1x1xf32>
    %mul3A_250 = arith.constant 3.125000e-02 : f32
    %mul3A_251 = vector.broadcast %mul3A_250 : f32 to vector<1x1xf32>
    %mul3A_252 = arith.mulf %broadcast_in_dim3A_249, %mul3A_251 : vector<1x1xf32>
    %swap3A_253 = arith.constant 0 : index
    %swap3A_254 = arith.constant 0 : index
    %swap3A_255 = vector.load %arg8[%swap3A_253, %swap3A_254] : memref<1x1xf32, #tpu.memory_space<vmem>>, vector<1x1xf32>
    tpu.vector_store %arg8[%swap3A_253, %swap3A_254], %mul3A_252 {strides = array<i32>} : memref<1x1xf32, #tpu.memory_space<vmem>>, vector<1x1xf32>,
    %get3A_256 = arith.constant 0 : index
    %get3A_257 = arith.constant 0 : index
    %get3A_258 = vector.load %arg2[%get3A_256, %get3A_257] : memref<100x768xf32, #tpu.memory_space<vmem>>, vector<100x768xf32>
    %mul3A_259 = arith.mulf %get3A_258, %get3A_258 : vector<100x768xf32>
    %reduce_sum3A_260 = arith.constant dense<0.000000e+00> : vector<100xf32>
    %reduce_sum3A_261 = vector.multi_reduction <add>, %mul3A_259, %reduce_sum3A_260 [1] : vector<100x768xf32> to vector<100xf32>
    %broadcast_in_dim3A_262 = vector.shape_cast %reduce_sum3A_261 : vector<100xf32> to vector<100x1xf32>
    %max3A_263 = arith.constant 9.99999996E-13 : f32
    %max3A_264 = vector.broadcast %max3A_263 : f32 to vector<100x1xf32>
    %max3A_265 = arith.maximumf %broadcast_in_dim3A_262, %max3A_264 : vector<100x1xf32>
    %rsqrt3A_266 = math.rsqrt %max3A_265 : vector<100x1xf32>
    %mul3A_267 = vector.broadcast %rsqrt3A_266 : vector<100x1xf32> to vector<100x768xf32>
    %mul3A_268 = arith.mulf %get3A_258, %mul3A_267 : vector<100x768xf32>
    %dot_general3A_269 = arith.constant dense<0.000000e+00> : vector<32x100xf32>
    %dot_general3A_270 = tpu.matmul %mul3A_7, %mul3A_268, %dot_general3A_269 {dimension_numbers = #tpu.dot_dimension_numbers<[1], [1], [0], [0], [0, 0, 1, 0], [], []>, transpose_lhs_hint = false} : vector<32x768xf32>, vector<100x768xf32>, vector<32x100xf32> -> vector<32x100xf32>
    %swap3A_271 = arith.constant 0 : index
    %swap3A_272 = arith.constant 0 : index
    %swap3A_273 = vector.load %arg4[%swap3A_271, %swap3A_272] : memref<32x100xf32, #tpu.memory_space<vmem>>, vector<32x100xf32>
    tpu.vector_store %arg4[%swap3A_271, %swap3A_272], %dot_general3A_270 {strides = array<i32>} : memref<32x100xf32, #tpu.memory_space<vmem>>, vector<32x100xf32>,
    %broadcast_in_dim3A_274 = arith.constant 0.000000e+00 : f32
    %broadcast_in_dim3A_275 = vector.broadcast %broadcast_in_dim3A_274 : f32 to vector<32x1xf32>
    %broadcast_in_dim3A_276 = arith.constant 0 : i32
    %broadcast_in_dim3A_277 = vector.broadcast %broadcast_in_dim3A_276 : i32 to vector<32x5xi32>
    %reduce_max3A_278 = arith.constant dense<0xFF800000> : vector<32xf32>
    %reduce_max3A_279 = vector.multi_reduction <maximumf>, %dot_general3A_270, %reduce_max3A_278 [1] : vector<32x100xf32> to vector<32xf32>
    %broadcast_in_dim3A_280 = vector.shape_cast %reduce_max3A_279 : vector<32xf32> to vector<32x1xf32>
    %eq3A_281 = vector.broadcast %broadcast_in_dim3A_280 : vector<32x1xf32> to vector<32x100xf32>
    %eq3A_282 = arith.cmpf oeq, %dot_general3A_270, %eq3A_281 : vector<32x100xf32>
    %jit3A_283 = arith.constant 100 : i32
    %broadcast_in_dim3A_284 = vector.broadcast %jit3A_283 : i32 to vector<32x100xi32>
    %select_n3A_285 = arith.select %eq3A_282, %iota3A, %broadcast_in_dim3A_284 : vector<32x100xi1>, vector<32x100xi32>
    %reduce_min3A_286 = arith.constant dense<2147483647> : vector<32xi32>
    %reduce_min3A_287 = vector.multi_reduction <minsi>, %select_n3A_285, %reduce_min3A_286 [1] : vector<32x100xi32> to vector<32xi32>
    %broadcast_in_dim3A_288 = vector.shape_cast %reduce_min3A_287 : vector<32xi32> to vector<32x1xi32>
    %eq3A_289 = arith.constant 0 : i32
    %eq3A_290 = vector.broadcast %eq3A_289 : i32 to vector<32x5xi32>
    %eq3A_291 = arith.cmpi eq, %iota3A_8, %eq3A_290 : vector<32x5xi32>
    %broadcast_in_dim3A_292 = vector.shape_cast %broadcast_in_dim3A_288 : vector<32x1xi32> to vector<32x1xi32>
    %broadcast_in_dim3A_293 = vector.broadcast %broadcast_in_dim3A_292 : vector<32x1xi32> to vector<32x5xi32>
    %select_n3A_294 = arith.select %eq3A_291, %broadcast_in_dim3A_293, %broadcast_in_dim3A_277 : vector<32x5xi1>, vector<32x5xi32>
    %add3A_295 = arith.addf %broadcast_in_dim3A_275, %broadcast_in_dim3A_280 : vector<32x1xf32>
    %eq3A_296 = vector.broadcast %broadcast_in_dim3A_288 : vector<32x1xi32> to vector<32x100xi32>
    %eq3A_297 = arith.cmpi eq, %iota3A, %eq3A_296 : vector<32x100xi32>
    %jit3A_298 = arith.constant -3.000000e+38 : f32
    %broadcast_in_dim3A_299 = vector.broadcast %jit3A_298 : f32 to vector<32x100xf32>
    %select_n3A_300 = arith.select %eq3A_297, %broadcast_in_dim3A_299, %dot_general3A_270 : vector<32x100xi1>, vector<32x100xf32>
    %reduce_max3A_301 = arith.constant dense<0xFF800000> : vector<32xf32>
    %reduce_max3A_302 = vector.multi_reduction <maximumf>, %select_n3A_300, %reduce_max3A_301 [1] : vector<32x100xf32> to vector<32xf32>
    %broadcast_in_dim3A_303 = vector.shape_cast %reduce_max3A_302 : vector<32xf32> to vector<32x1xf32>
    %eq3A_304 = vector.broadcast %broadcast_in_dim3A_303 : vector<32x1xf32> to vector<32x100xf32>
    %eq3A_305 = arith.cmpf oeq, %select_n3A_300, %eq3A_304 : vector<32x100xf32>
    %jit3A_306 = arith.constant 100 : i32
    %broadcast_in_dim3A_307 = vector.broadcast %jit3A_306 : i32 to vector<32x100xi32>
    %select_n3A_308 = arith.select %eq3A_305, %iota3A, %broadcast_in_dim3A_307 : vector<32x100xi1>, vector<32x100xi32>
    %reduce_min3A_309 = arith.constant dense<2147483647> : vector<32xi32>
    %reduce_min3A_310 = vector.multi_reduction <minsi>, %select_n3A_308, %reduce_min3A_309 [1] : vector<32x100xi32> to vector<32xi32>
    %broadcast_in_dim3A_311 = vector.shape_cast %reduce_min3A_310 : vector<32xi32> to vector<32x1xi32>
    %eq3A_312 = arith.constant 1 : i32
    %eq3A_313 = vector.broadcast %eq3A_312 : i32 to vector<32x5xi32>
    %eq3A_314 = arith.cmpi eq, %iota3A_8, %eq3A_313 : vector<32x5xi32>
    %broadcast_in_dim3A_315 = vector.shape_cast %broadcast_in_dim3A_311 : vector<32x1xi32> to vector<32x1xi32>
    %broadcast_in_dim3A_316 = vector.broadcast %broadcast_in_dim3A_315 : vector<32x1xi32> to vector<32x5xi32>
    %select_n3A_317 = arith.select %eq3A_314, %broadcast_in_dim3A_316, %select_n3A_294 : vector<32x5xi1>, vector<32x5xi32>
    %add3A_318 = arith.addf %add3A_295, %broadcast_in_dim3A_303 : vector<32x1xf32>
    %eq3A_319 = vector.broadcast %broadcast_in_dim3A_311 : vector<32x1xi32> to vector<32x100xi32>
    %eq3A_320 = arith.cmpi eq, %iota3A, %eq3A_319 : vector<32x100xi32>
    %jit3A_321 = arith.constant -3.000000e+38 : f32
    %broadcast_in_dim3A_322 = vector.broadcast %jit3A_321 : f32 to vector<32x100xf32>
    %select_n3A_323 = arith.select %eq3A_320, %broadcast_in_dim3A_322, %select_n3A_300 : vector<32x100xi1>, vector<32x100xf32>
    %reduce_max3A_324 = arith.constant dense<0xFF800000> : vector<32xf32>
    %reduce_max3A_325 = vector.multi_reduction <maximumf>, %select_n3A_323, %reduce_max3A_324 [1] : vector<32x100xf32> to vector<32xf32>
    %broadcast_in_dim3A_326 = vector.shape_cast %reduce_max3A_325 : vector<32xf32> to vector<32x1xf32>
    %eq3A_327 = vector.broadcast %broadcast_in_dim3A_326 : vector<32x1xf32> to vector<32x100xf32>
    %eq3A_328 = arith.cmpf oeq, %select_n3A_323, %eq3A_327 : vector<32x100xf32>
    %jit3A_329 = arith.constant 100 : i32
    %broadcast_in_dim3A_330 = vector.broadcast %jit3A_329 : i32 to vector<32x100xi32>
    %select_n3A_331 = arith.select %eq3A_328, %iota3A, %broadcast_in_dim3A_330 : vector<32x100xi1>, vector<32x100xi32>
    %reduce_min3A_332 = arith.constant dense<2147483647> : vector<32xi32>
    %reduce_min3A_333 = vector.multi_reduction <minsi>, %select_n3A_331, %reduce_min3A_332 [1] : vector<32x100xi32> to vector<32xi32>
    %broadcast_in_dim3A_334 = vector.shape_cast %reduce_min3A_333 : vector<32xi32> to vector<32x1xi32>
    %eq3A_335 = arith.constant 2 : i32
    %eq3A_336 = vector.broadcast %eq3A_335 : i32 to vector<32x5xi32>
    %eq3A_337 = arith.cmpi eq, %iota3A_8, %eq3A_336 : vector<32x5xi32>
    %broadcast_in_dim3A_338 = vector.shape_cast %broadcast_in_dim3A_334 : vector<32x1xi32> to vector<32x1xi32>
    %broadcast_in_dim3A_339 = vector.broadcast %broadcast_in_dim3A_338 : vector<32x1xi32> to vector<32x5xi32>
    %select_n3A_340 = arith.select %eq3A_337, %broadcast_in_dim3A_339, %select_n3A_317 : vector<32x5xi1>, vector<32x5xi32>
    %add3A_341 = arith.addf %add3A_318, %broadcast_in_dim3A_326 : vector<32x1xf32>
    %eq3A_342 = vector.broadcast %broadcast_in_dim3A_334 : vector<32x1xi32> to vector<32x100xi32>
    %eq3A_343 = arith.cmpi eq, %iota3A, %eq3A_342 : vector<32x100xi32>
    %jit3A_344 = arith.constant -3.000000e+38 : f32
    %broadcast_in_dim3A_345 = vector.broadcast %jit3A_344 : f32 to vector<32x100xf32>
    %select_n3A_346 = arith.select %eq3A_343, %broadcast_in_dim3A_345, %select_n3A_323 : vector<32x100xi1>, vector<32x100xf32>
    %reduce_max3A_347 = arith.constant dense<0xFF800000> : vector<32xf32>
    %reduce_max3A_348 = vector.multi_reduction <maximumf>, %select_n3A_346, %reduce_max3A_347 [1] : vector<32x100xf32> to vector<32xf32>
    %broadcast_in_dim3A_349 = vector.shape_cast %reduce_max3A_348 : vector<32xf32> to vector<32x1xf32>
    %eq3A_350 = vector.broadcast %broadcast_in_dim3A_349 : vector<32x1xf32> to vector<32x100xf32>
    %eq3A_351 = arith.cmpf oeq, %select_n3A_346, %eq3A_350 : vector<32x100xf32>
    %jit3A_352 = arith.constant 100 : i32
    %broadcast_in_dim3A_353 = vector.broadcast %jit3A_352 : i32 to vector<32x100xi32>
    %select_n3A_354 = arith.select %eq3A_351, %iota3A, %broadcast_in_dim3A_353 : vector<32x100xi1>, vector<32x100xi32>
    %reduce_min3A_355 = arith.constant dense<2147483647> : vector<32xi32>
    %reduce_min3A_356 = vector.multi_reduction <minsi>, %select_n3A_354, %reduce_min3A_355 [1] : vector<32x100xi32> to vector<32xi32>
    %broadcast_in_dim3A_357 = vector.shape_cast %reduce_min3A_356 : vector<32xi32> to vector<32x1xi32>
    %eq3A_358 = arith.constant 3 : i32
    %eq3A_359 = vector.broadcast %eq3A_358 : i32 to vector<32x5xi32>
    %eq3A_360 = arith.cmpi eq, %iota3A_8, %eq3A_359 : vector<32x5xi32>
    %broadcast_in_dim3A_361 = vector.shape_cast %broadcast_in_dim3A_357 : vector<32x1xi32> to vector<32x1xi32>
    %broadcast_in_dim3A_362 = vector.broadcast %broadcast_in_dim3A_361 : vector<32x1xi32> to vector<32x5xi32>
    %select_n3A_363 = arith.select %eq3A_360, %broadcast_in_dim3A_362, %select_n3A_340 : vector<32x5xi1>, vector<32x5xi32>
    %add3A_364 = arith.addf %add3A_341, %broadcast_in_dim3A_349 : vector<32x1xf32>
    %eq3A_365 = vector.broadcast %broadcast_in_dim3A_357 : vector<32x1xi32> to vector<32x100xi32>
    %eq3A_366 = arith.cmpi eq, %iota3A, %eq3A_365 : vector<32x100xi32>
    %jit3A_367 = arith.constant -3.000000e+38 : f32
    %broadcast_in_dim3A_368 = vector.broadcast %jit3A_367 : f32 to vector<32x100xf32>
    %select_n3A_369 = arith.select %eq3A_366, %broadcast_in_dim3A_368, %select_n3A_346 : vector<32x100xi1>, vector<32x100xf32>
    %reduce_max3A_370 = arith.constant dense<0xFF800000> : vector<32xf32>
    %reduce_max3A_371 = vector.multi_reduction <maximumf>, %select_n3A_369, %reduce_max3A_370 [1] : vector<32x100xf32> to vector<32xf32>
    %broadcast_in_dim3A_372 = vector.shape_cast %reduce_max3A_371 : vector<32xf32> to vector<32x1xf32>
    %eq3A_373 = vector.broadcast %broadcast_in_dim3A_372 : vector<32x1xf32> to vector<32x100xf32>
    %eq3A_374 = arith.cmpf oeq, %select_n3A_369, %eq3A_373 : vector<32x100xf32>
    %jit3A_375 = arith.constant 100 : i32
    %broadcast_in_dim3A_376 = vector.broadcast %jit3A_375 : i32 to vector<32x100xi32>
    %select_n3A_377 = arith.select %eq3A_374, %iota3A, %broadcast_in_dim3A_376 : vector<32x100xi1>, vector<32x100xi32>
    %reduce_min3A_378 = arith.constant dense<2147483647> : vector<32xi32>
    %reduce_min3A_379 = vector.multi_reduction <minsi>, %select_n3A_377, %reduce_min3A_378 [1] : vector<32x100xi32> to vector<32xi32>
    %broadcast_in_dim3A_380 = vector.shape_cast %reduce_min3A_379 : vector<32xi32> to vector<32x1xi32>
    %eq3A_381 = arith.constant 4 : i32
    %eq3A_382 = vector.broadcast %eq3A_381 : i32 to vector<32x5xi32>
    %eq3A_383 = arith.cmpi eq, %iota3A_8, %eq3A_382 : vector<32x5xi32>
    %broadcast_in_dim3A_384 = vector.shape_cast %broadcast_in_dim3A_380 : vector<32x1xi32> to vector<32x1xi32>
    %broadcast_in_dim3A_385 = vector.broadcast %broadcast_in_dim3A_384 : vector<32x1xi32> to vector<32x5xi32>
    %select_n3A_386 = arith.select %eq3A_383, %broadcast_in_dim3A_385, %select_n3A_363 : vector<32x5xi1>, vector<32x5xi32>
    %add3A_387 = arith.addf %add3A_364, %broadcast_in_dim3A_372 : vector<32x1xf32>
    %swap3A_388 = arith.constant 0 : index
    %swap3A_389 = arith.constant 0 : index
    %swap3A_390 = vector.load %arg6[%swap3A_388, %swap3A_389] : memref<32x5xi32, #tpu.memory_space<vmem>>, vector<32x5xi32>
    tpu.vector_store %arg6[%swap3A_388, %swap3A_389], %select_n3A_386 {strides = array<i32>} : memref<32x5xi32, #tpu.memory_space<vmem>>, vector<32x5xi32>,
    %reduce_sum3A_391 = vector.shape_cast %add3A_387 : vector<32x1xf32> to vector<1x32x1xf32>
    %reduce_sum3A_392 = arith.constant dense<0.000000e+00> : vector<1xf32>
    %reduce_sum3A_393 = vector.multi_reduction <add>, %reduce_sum3A_391, %reduce_sum3A_392 [1, 2] : vector<1x32x1xf32> to vector<1xf32>
    %reduce_sum3A_394 = vector.shape_cast %reduce_sum3A_393 : vector<1xf32> to vector<1x1x1xf32>
    %reduce_sum3A_395 = vector.extract %reduce_sum3A_394[0, 0, 0] : f32 from vector<1x1x1xf32>
    %broadcast_in_dim3A_396 = vector.broadcast %reduce_sum3A_395 : f32 to vector<1x1xf32>
    %mul3A_397 = arith.constant 3.125000e-02 : f32
    %mul3A_398 = vector.broadcast %mul3A_397 : f32 to vector<1x1xf32>
    %mul3A_399 = arith.mulf %broadcast_in_dim3A_396, %mul3A_398 : vector<1x1xf32>
    %swap3A_400 = arith.constant 0 : index
    %swap3A_401 = arith.constant 0 : index
    %swap3A_402 = vector.load %arg9[%swap3A_400, %swap3A_401] : memref<1x1xf32, #tpu.memory_space<vmem>>, vector<1x1xf32>
    tpu.vector_store %arg9[%swap3A_400, %swap3A_401], %mul3A_399 {strides = array<i32>} : memref<1x1xf32, #tpu.memory_space<vmem>>, vector<1x1xf32>,
    return
  }
}

module attributes {stable_mosaic.version = 14 : i64} {
  func.func @_mean_body(%arg0: i32, %arg1: memref<1x2048x768xf32, #tpu.memory_space<vmem>>, %arg2: memref<1x1x768xf32, #tpu.memory_space<vmem>>) attributes {dimension_semantics = [#tpu.dimension_semantics<parallel>], iteration_bounds = array<i64: 32>, scalar_prefetch = 0 : i64, scratch_operands = 0 : i64, tpu.core_type = #tpu.core_type<tc>, window_params = [{transform_indices = @transform_0, window_bounds = array<i64: 1, 2048, 768>}, {transform_indices = @transform_1, window_bounds = array<i64: 1, 1, 768>}]} {
    %get3A = arith.constant 0 : index
    %get3A_0 = arith.constant 0 : index
    %get3A_1 = arith.constant 0 : index
    %get3A_2 = vector.load %arg1[%get3A, %get3A_0, %get3A_1] : memref<1x2048x768xf32, #tpu.memory_space<vmem>>, vector<1x2048x768xf32>
    %get3A_3 = vector.shape_cast %get3A_2 : vector<1x2048x768xf32> to vector<2048x768xf32>
    %reduce_sum3A = arith.constant dense<0.000000e+00> : vector<768xf32>
    %reduce_sum3A_4 = vector.multi_reduction <add>, %get3A_3, %reduce_sum3A [0] : vector<2048x768xf32> to vector<768xf32>
    %broadcast_in_dim3A = vector.shape_cast %reduce_sum3A_4 : vector<768xf32> to vector<1x768xf32>
    %mul3A = arith.constant 4.8828125E-4 : f32
    %mul3A_5 = vector.broadcast %mul3A : f32 to vector<1x768xf32>
    %mul3A_6 = arith.mulf %broadcast_in_dim3A, %mul3A_5 : vector<1x768xf32>
    %reshape3A = vector.shape_cast %mul3A_6 : vector<1x768xf32> to vector<1x1x768xf32>
    %swap3A = arith.constant 0 : index
    %swap3A_7 = arith.constant 0 : index
    %swap3A_8 = arith.constant 0 : index
    %swap3A_9 = vector.load %arg2[%swap3A, %swap3A_7, %swap3A_8] : memref<1x1x768xf32, #tpu.memory_space<vmem>>, vector<1x1x768xf32>
    tpu.vector_store %arg2[%swap3A, %swap3A_7, %swap3A_8], %reshape3A {strides = array<i32>} : memref<1x1x768xf32, #tpu.memory_space<vmem>>, vector<1x1x768xf32>,
    return
  }
  func.func @transform_0(%arg0: i32) -> (i32, i32, i32) {
    %c0_i32 = arith.constant 0 : i32
    %c0_i32_0 = arith.constant 0 : i32
    %c0_i32_1 = arith.constant 0 : i32
    return %arg0, %c0_i32, %c0_i32_0 : i32, i32, i32
  }
  func.func @transform_1(%arg0: i32) -> (i32, i32, i32) {
    %c0_i32 = arith.constant 0 : i32
    %c0_i32_0 = arith.constant 0 : i32
    %c0_i32_1 = arith.constant 0 : i32
    return %arg0, %c0_i32, %c0_i32_0 : i32, i32, i32
  }
}

module attributes {stable_mosaic.version = 14 : i64} {
  func.func @_tgather_body(%arg0: i32, %arg1: i32, %arg2: memref<32x5xi32, #tpu.memory_space<smem>>, %arg3: memref<1x1x5x768xf32, #tpu.memory_space<vmem>>, %arg4: memref<1x1x5x768xf32, #tpu.memory_space<vmem>>, %arg5: memref<1x1x5x768xf32, #tpu.memory_space<vmem>>, %arg6: memref<1x1x5x768xf32, #tpu.memory_space<vmem>>, %arg7: memref<1x1x5x768xf32, #tpu.memory_space<vmem>>, %arg8: memref<1x1x25x768xf32, #tpu.memory_space<vmem>>) attributes {dimension_semantics = [#tpu.dimension_semantics<arbitrary>, #tpu.dimension_semantics<arbitrary>], iteration_bounds = array<i64: 12, 32>, scalar_prefetch = 1 : i64, scratch_operands = 0 : i64, tpu.core_type = #tpu.core_type<tc>, window_params = [{transform_indices = @transform_0, window_bounds = array<i64: 1, 1, 5, 768>}, {transform_indices = @transform_1, window_bounds = array<i64: 1, 1, 5, 768>}, {transform_indices = @transform_2, window_bounds = array<i64: 1, 1, 5, 768>}, {transform_indices = @transform_3, window_bounds = array<i64: 1, 1, 5, 768>}, {transform_indices = @transform_4, window_bounds = array<i64: 1, 1, 5, 768>}, {transform_indices = @transform_5, window_bounds = array<i64: 1, 1, 25, 768>}]} {
    %get3A = arith.constant 0 : index
    %get3A_0 = arith.constant 0 : index
    %get3A_1 = arith.constant 0 : index
    %get3A_2 = arith.constant 0 : index
    %get3A_3 = vector.load %arg3[%get3A, %get3A_0, %get3A_1, %get3A_2] : memref<1x1x5x768xf32, #tpu.memory_space<vmem>>, vector<1x1x5x768xf32>
    %get3A_4 = vector.shape_cast %get3A_3 : vector<1x1x5x768xf32> to vector<5x768xf32>
    %swap3A = arith.constant 0 : index
    %swap3A_5 = arith.constant 0 : index
    %swap3A_6 = arith.constant 0 : index
    %swap3A_7 = arith.constant 0 : index
    %swap3A_8 = vector.load %arg8[%swap3A, %swap3A_5, %swap3A_6, %swap3A_7] : memref<1x1x25x768xf32, #tpu.memory_space<vmem>>, vector<1x1x5x768xf32>
    %swap3A_9 = vector.shape_cast %swap3A_8 : vector<1x1x5x768xf32> to vector<5x768xf32>
    %swap3A_10 = vector.shape_cast %get3A_4 : vector<5x768xf32> to vector<1x1x5x768xf32>
    tpu.vector_store %arg8[%swap3A, %swap3A_5, %swap3A_6, %swap3A_7], %swap3A_10 {strides = array<i32>} : memref<1x1x25x768xf32, #tpu.memory_space<vmem>>, vector<1x1x5x768xf32>,
    %get3A_11 = arith.constant 0 : index
    %get3A_12 = arith.constant 0 : index
    %get3A_13 = arith.constant 0 : index
    %get3A_14 = arith.constant 0 : index
    %get3A_15 = vector.load %arg4[%get3A_11, %get3A_12, %get3A_13, %get3A_14] : memref<1x1x5x768xf32, #tpu.memory_space<vmem>>, vector<1x1x5x768xf32>
    %get3A_16 = vector.shape_cast %get3A_15 : vector<1x1x5x768xf32> to vector<5x768xf32>
    %swap3A_17 = arith.constant 0 : index
    %swap3A_18 = arith.constant 0 : index
    %swap3A_19 = arith.constant 5 : index
    %swap3A_20 = arith.constant 0 : index
    %swap3A_21 = vector.load %arg8[%swap3A_17, %swap3A_18, %swap3A_19, %swap3A_20] : memref<1x1x25x768xf32, #tpu.memory_space<vmem>>, vector<1x1x5x768xf32>
    %swap3A_22 = vector.shape_cast %swap3A_21 : vector<1x1x5x768xf32> to vector<5x768xf32>
    %swap3A_23 = vector.shape_cast %get3A_16 : vector<5x768xf32> to vector<1x1x5x768xf32>
    tpu.vector_store %arg8[%swap3A_17, %swap3A_18, %swap3A_19, %swap3A_20], %swap3A_23 {strides = array<i32>} : memref<1x1x25x768xf32, #tpu.memory_space<vmem>>, vector<1x1x5x768xf32>,
    %get3A_24 = arith.constant 0 : index
    %get3A_25 = arith.constant 0 : index
    %get3A_26 = arith.constant 0 : index
    %get3A_27 = arith.constant 0 : index
    %get3A_28 = vector.load %arg5[%get3A_24, %get3A_25, %get3A_26, %get3A_27] : memref<1x1x5x768xf32, #tpu.memory_space<vmem>>, vector<1x1x5x768xf32>
    %get3A_29 = vector.shape_cast %get3A_28 : vector<1x1x5x768xf32> to vector<5x768xf32>
    %swap3A_30 = arith.constant 0 : index
    %swap3A_31 = arith.constant 0 : index
    %swap3A_32 = arith.constant 10 : index
    %swap3A_33 = arith.constant 0 : index
    %swap3A_34 = vector.load %arg8[%swap3A_30, %swap3A_31, %swap3A_32, %swap3A_33] : memref<1x1x25x768xf32, #tpu.memory_space<vmem>>, vector<1x1x5x768xf32>
    %swap3A_35 = vector.shape_cast %swap3A_34 : vector<1x1x5x768xf32> to vector<5x768xf32>
    %swap3A_36 = vector.shape_cast %get3A_29 : vector<5x768xf32> to vector<1x1x5x768xf32>
    tpu.vector_store %arg8[%swap3A_30, %swap3A_31, %swap3A_32, %swap3A_33], %swap3A_36 {strides = array<i32>} : memref<1x1x25x768xf32, #tpu.memory_space<vmem>>, vector<1x1x5x768xf32>,
    %get3A_37 = arith.constant 0 : index
    %get3A_38 = arith.constant 0 : index
    %get3A_39 = arith.constant 0 : index
    %get3A_40 = arith.constant 0 : index
    %get3A_41 = vector.load %arg6[%get3A_37, %get3A_38, %get3A_39, %get3A_40] : memref<1x1x5x768xf32, #tpu.memory_space<vmem>>, vector<1x1x5x768xf32>
    %get3A_42 = vector.shape_cast %get3A_41 : vector<1x1x5x768xf32> to vector<5x768xf32>
    %swap3A_43 = arith.constant 0 : index
    %swap3A_44 = arith.constant 0 : index
    %swap3A_45 = arith.constant 15 : index
    %swap3A_46 = arith.constant 0 : index
    %swap3A_47 = vector.load %arg8[%swap3A_43, %swap3A_44, %swap3A_45, %swap3A_46] : memref<1x1x25x768xf32, #tpu.memory_space<vmem>>, vector<1x1x5x768xf32>
    %swap3A_48 = vector.shape_cast %swap3A_47 : vector<1x1x5x768xf32> to vector<5x768xf32>
    %swap3A_49 = vector.shape_cast %get3A_42 : vector<5x768xf32> to vector<1x1x5x768xf32>
    tpu.vector_store %arg8[%swap3A_43, %swap3A_44, %swap3A_45, %swap3A_46], %swap3A_49 {strides = array<i32>} : memref<1x1x25x768xf32, #tpu.memory_space<vmem>>, vector<1x1x5x768xf32>,
    %get3A_50 = arith.constant 0 : index
    %get3A_51 = arith.constant 0 : index
    %get3A_52 = arith.constant 0 : index
    %get3A_53 = arith.constant 0 : index
    %get3A_54 = vector.load %arg7[%get3A_50, %get3A_51, %get3A_52, %get3A_53] : memref<1x1x5x768xf32, #tpu.memory_space<vmem>>, vector<1x1x5x768xf32>
    %get3A_55 = vector.shape_cast %get3A_54 : vector<1x1x5x768xf32> to vector<5x768xf32>
    %swap3A_56 = arith.constant 0 : index
    %swap3A_57 = arith.constant 0 : index
    %swap3A_58 = arith.constant 20 : index
    %swap3A_59 = arith.constant 0 : index
    %swap3A_60 = vector.load %arg8[%swap3A_56, %swap3A_57, %swap3A_58, %swap3A_59] : memref<1x1x25x768xf32, #tpu.memory_space<vmem>>, vector<1x1x5x768xf32>
    %swap3A_61 = vector.shape_cast %swap3A_60 : vector<1x1x5x768xf32> to vector<5x768xf32>
    %swap3A_62 = vector.shape_cast %get3A_55 : vector<5x768xf32> to vector<1x1x5x768xf32>
    tpu.vector_store %arg8[%swap3A_56, %swap3A_57, %swap3A_58, %swap3A_59], %swap3A_62 {strides = array<i32>} : memref<1x1x25x768xf32, #tpu.memory_space<vmem>>, vector<1x1x5x768xf32>,
    return
  }
  func.func @transform_0(%arg0: i32, %arg1: i32, %arg2: memref<32x5xi32, #tpu.memory_space<smem>>) -> (i32, i32, i32, i32) {
    %get3A = arith.index_cast %arg1 : i32 to index
    %get3A_0 = arith.constant 0 : index
    %get3A_1 = memref.load %arg2[%get3A, %get3A_0] : memref<32x5xi32, #tpu.memory_space<smem>>
    %c0_i32 = arith.constant 0 : i32
    %c0_i32_2 = arith.constant 0 : i32
    %c0_i32_3 = arith.constant 0 : i32
    return %arg0, %get3A_1, %c0_i32, %c0_i32_2 : i32, i32, i32, i32
  }
  func.func @transform_1(%arg0: i32, %arg1: i32, %arg2: memref<32x5xi32, #tpu.memory_space<smem>>) -> (i32, i32, i32, i32) {
    %get3A = arith.index_cast %arg1 : i32 to index
    %get3A_0 = arith.constant 1 : index
    %get3A_1 = memref.load %arg2[%get3A, %get3A_0] : memref<32x5xi32, #tpu.memory_space<smem>>
    %c0_i32 = arith.constant 0 : i32
    %c0_i32_2 = arith.constant 0 : i32
    %c0_i32_3 = arith.constant 0 : i32
    return %arg0, %get3A_1, %c0_i32, %c0_i32_2 : i32, i32, i32, i32
  }
  func.func @transform_2(%arg0: i32, %arg1: i32, %arg2: memref<32x5xi32, #tpu.memory_space<smem>>) -> (i32, i32, i32, i32) {
    %get3A = arith.index_cast %arg1 : i32 to index
    %get3A_0 = arith.constant 2 : index
    %get3A_1 = memref.load %arg2[%get3A, %get3A_0] : memref<32x5xi32, #tpu.memory_space<smem>>
    %c0_i32 = arith.constant 0 : i32
    %c0_i32_2 = arith.constant 0 : i32
    %c0_i32_3 = arith.constant 0 : i32
    return %arg0, %get3A_1, %c0_i32, %c0_i32_2 : i32, i32, i32, i32
  }
  func.func @transform_3(%arg0: i32, %arg1: i32, %arg2: memref<32x5xi32, #tpu.memory_space<smem>>) -> (i32, i32, i32, i32) {
    %get3A = arith.index_cast %arg1 : i32 to index
    %get3A_0 = arith.constant 3 : index
    %get3A_1 = memref.load %arg2[%get3A, %get3A_0] : memref<32x5xi32, #tpu.memory_space<smem>>
    %c0_i32 = arith.constant 0 : i32
    %c0_i32_2 = arith.constant 0 : i32
    %c0_i32_3 = arith.constant 0 : i32
    return %arg0, %get3A_1, %c0_i32, %c0_i32_2 : i32, i32, i32, i32
  }
  func.func @transform_4(%arg0: i32, %arg1: i32, %arg2: memref<32x5xi32, #tpu.memory_space<smem>>) -> (i32, i32, i32, i32) {
    %get3A = arith.index_cast %arg1 : i32 to index
    %get3A_0 = arith.constant 4 : index
    %get3A_1 = memref.load %arg2[%get3A, %get3A_0] : memref<32x5xi32, #tpu.memory_space<smem>>
    %c0_i32 = arith.constant 0 : i32
    %c0_i32_2 = arith.constant 0 : i32
    %c0_i32_3 = arith.constant 0 : i32
    return %arg0, %get3A_1, %c0_i32, %c0_i32_2 : i32, i32, i32, i32
  }
  func.func @transform_5(%arg0: i32, %arg1: i32, %arg2: memref<32x5xi32, #tpu.memory_space<smem>>) -> (i32, i32, i32, i32) {
    %c0_i32 = arith.constant 0 : i32
    %c0_i32_0 = arith.constant 0 : i32
    %c0_i32_1 = arith.constant 0 : i32
    return %arg0, %arg1, %c0_i32, %c0_i32_0 : i32, i32, i32, i32
  }
}

</mosaic_0001>

<sc_bundles>
// kernel: kernel.6.cloned.1.call-start
scs
__scs_entry_jumppad:
0x0: {  	(pc) =	sbr.rel $0x88, $3  }
0x1: {  	(tag) =	ssettag $0x0;
	lr =	simm.s32 $0x1  }
0x2: {  	[smem:$0x3F9C] =	sst lr;
	_ =	strace $0xD0000000  }
0x3: {  	_ = 	snop  }
0x4: {  	_ = 	snop  }
0x5: {  	_ = 	snop  }
0x6: {  	_ = 	snop  }
0x7: {  	_ = 	snop  }
__scs_overlays_trampoline_lowered:
0x8: {  	[smem:$0x3FAB] =	sst s0  }
0x9: {  	[smem:$0x3FAC] =	sst s1  }
0xa: {  	[smem:$0x3FAD] =	sst s2  }
0xb: {  	[smem:$0x3FAE] =	sst s3  }
0xc: {  	[smem:$0x3FAF] =	sst s4  }
0xd: {  	[smem:$0x3FB0] =	sst s5  }
0xe: {  	[smem:$0x3FB1] =	sst s6  }
0xf: {  	[smem:$0x3FB2] =	sst s7  }
0x10: {  	[smem:$0x3FB3] =	sst s8  }
0x11: {  	[smem:$0x3FB4] =	sst s9;
	s0 =	simm.s32 @!p0 $0x0  }
0x12: {  	s1 =	sld [smem:$0x3F9A];
	s0 =	simm.s32 @p0 $0x1  }
0x13: {  	[smem:$0x3FB5] =	sst s0;
	s0 =	simm.s32 @!p1 $0x0  }
0x14: {  	s2 =	sld [smem:$0x3F99];
	s0 =	simm.s32 @p1 $0x1  }
0x15: {  	[smem:$0x3FB6] =	sst s0;
	s0 =	simm.s32 @!p2 $0x0  }
0x16: {  	s3 =	sld [smem:$0x3FDB];
	s0 =	simm.s32 @p2 $0x1  }
0x17: {  	s4 =	simm.s32 $0x1BF5;
	[smem:$0x3FB8] =	sst s0  }
0x18: {  	s0 =	sld [smem:$0x3F9B];
	_ =	swait.ge [sflag:s4], $0x0  }
0x19: {  	s7 =	sld [smem:$0x3F9C]  }
0x1a: {  	s8 =	sadd.s32 $0xFFFFE003, lr  }
0x1b: {  	s9 =	sadd.s32 $0xFFFFFEF7, lr;
	s5 =	simm.s32 $0xFFFFFFFF;
	p2 =	slt.u32 s8, $0xFFFFF086  }
0x1c: {  	p1 =	slt.u32 s9, $0xF7A;
	s5 =	simm.s32 @!p2 $0x0  }
0x1d: {  	s5 =	simm.s32 @p1 $0x1;
	p0 =	seq.s32 s7, s2  }
0x1e: {  	s7 =	smul.u32 @!p0 $0xF7A, s2;
	p2 =	seq.s32 @!p0 s5, $0x0  }
0x1f: {  	s9 =	smul.u32 $0xF7A, s1;
	s8 =	simm.s32 @!p0 $0x1BF5;
	p2 =	por !p2, p0  }
0x20: {  	[sflag:s8] =	ssyncset.s32 @!p0 $0xFFFFF086;
	s6 =	sadd.s32 @!p0 s3, s7;
	s7 =	simm.s32 @!p0 $0x108  }
0x21: {  	s3 =	sadd.s32 s3, s9;
	s6 =	sadd.s32 @!p0 $0x88, s6;
	s7 =	simm.s32 @p2 $0x1082  }
0x22: {  	[simem:s7], [sflag:s8] =	dma.local @!p0 [hbm:s6], $0xF7A  }
0x23: {  	s9 =	sor.u32 $0xD0000000, s2;
	s6 =	simm.s32 $0x108;
	_ =	swait.ge @!p0 [sflag:s8], $0x0  }
0x24: {  	s3 =	sadd.s32 $0x88, s3;
	s6 =	simm.s32 @!p1 $0x1082;
	[sflag:s4] =	ssyncset.s32 $0xFFFFF086  }
0x25: {  	[simem:s6], [sflag:s4] =	dma.local [hbm:s3], $0xF7A  }
0x26: {  	[smem:$0x3F9C] =	sst s1;
	(tag) =	ssettag s2;
	_ =	strace s9  }
0x27: {  	s1 =	sld [smem:$0x3FAC]  }
0x28: {  	s2 =	sld [smem:$0x3FAD]  }
0x29: {  	s4 =	sld [smem:$0x3FAF]  }
0x2a: {  	p0 =	seq.s32 s5, $0x0;
	s5 =	sld [smem:$0x3FB0]  }
0x2b: {  	s6 =	sld [smem:$0x3FB1]  }
0x2c: {  	s7 =	sld [smem:$0x3FB2]  }
0x2d: {  	s3 =	simm.s32 $0x108;
	s8 =	sld [smem:$0x3FB3]  }
0x2e: {  	s3 =	simm.s32 @!p0 $0x1082;
	s9 =	sld [smem:$0x3FB4]  }
0x2f: {  	lr =	sadd.s32 s0, s3;
	s0 =	sld [smem:$0x3FAB]  }
0x30: {  	s3 =	sld [smem:$0x3FAE]  }
0x31: {  	[smem:$0x3FB7] =	sst s10  }
0x32: {  	s10 =	sld [smem:$0x3FB5];
	_ =	sdelay $0x3  }
0x33: {  	p0 =	seq.s32 s10, $0x1;
	s10 =	sld [smem:$0x3FB7];
	_ =	sdelay $0x3  }
0x34: {  	[smem:$0x3FB7] =	sst s10  }
0x35: {  	s10 =	sld [smem:$0x3FB6];
	_ =	sdelay $0x3  }
0x36: {  	p1 =	seq.s32 s10, $0x1;
	s10 =	sld [smem:$0x3FB7];
	_ =	sdelay $0x3  }
0x37: {  	[smem:$0x3FB7] =	sst s10  }
0x38: {  	s10 =	sld [smem:$0x3FB8]  }
0x39: {  	_ = 	snop;
	(pc) =	sbr.ind lr, $3  }
0x3a: {  	_ = 	snop  }
0x3b: {  	_ = 	snop  }
0x3c: {  	p2 =	seq.s32 s10, $0x1;
	s10 =	sld [smem:$0x3FB7]  }
0x3d: {  	_ =	shalt  }
0x3e: {  	_ =	shalt  }
0x3f: {  	_ =	shalt  }
0x40: {  	_ =	shalt  }
0x41: {  	_ =	shalt  }
0x42: {  	_ =	shalt  }
0x43: {  	_ =	shalt  }
0x44: {  	_ =	shalt  }
0x45: {  	_ =	shalt  }
0x46: {  	_ =	shalt  }
0x47: {  	_ =	shalt  }
0x48: {  	_ =	shalt  }
0x49: {  	_ =	shalt  }
0x4a: {  	_ =	shalt  }
0x4b: {  	_ =	shalt  }
0x4c: {  	_ =	shalt  }
0x4d: {  	_ =	shalt  }
0x4e: {  	_ =	shalt  }
0x4f: {  	_ =	shalt  }
0x50: {  	_ =	shalt  }
0x51: {  	_ =	shalt  }
0x52: {  	_ =	shalt  }
0x53: {  	_ =	shalt  }
0x54: {  	_ =	shalt  }
0x55: {  	_ =	shalt  }
0x56: {  	_ =	shalt  }
0x57: {  	_ =	shalt  }
0x58: {  	_ =	shalt  }
0x59: {  	_ =	shalt  }
0x5a: {  	_ =	shalt  }
0x5b: {  	_ =	shalt  }
0x5c: {  	_ =	shalt  }
0x5d: {  	_ =	shalt  }
0x5e: {  	_ =	shalt  }
0x5f: {  	_ =	shalt  }
0x60: {  	_ =	shalt  }
0x61: {  	_ =	shalt  }
0x62: {  	_ =	shalt  }
0x63: {  	_ =	shalt  }
0x64: {  	_ =	shalt  }
0x65: {  	_ =	shalt  }
0x66: {  	_ =	shalt  }
0x67: {  	_ =	shalt  }
0x68: {  	_ =	shalt  }
0x69: {  	_ =	shalt  }
0x6a: {  	_ =	shalt  }
0x6b: {  	_ =	shalt  }
0x6c: {  	_ =	shalt  }
0x6d: {  	_ =	shalt  }
0x6e: {  	_ =	shalt  }
0x6f: {  	_ =	shalt  }
0x70: {  	_ =	shalt  }
0x71: {  	_ =	shalt  }
0x72: {  	_ =	shalt  }
0x73: {  	_ =	shalt  }
0x74: {  	_ =	shalt  }
0x75: {  	_ =	shalt  }
0x76: {  	_ =	shalt  }
0x77: {  	_ =	shalt  }
0x78: {  	_ =	shalt  }
0x79: {  	_ =	shalt  }
0x7a: {  	_ =	shalt  }
0x7b: {  	_ =	shalt  }
0x7c: {  	_ =	shalt  }
0x7d: {  	_ =	shalt  }
0x7e: {  	_ =	shalt  }
0x7f: {  	_ =	shalt  }
0x80: {  	_ =	shalt  }
0x81: {  	_ =	shalt  }
0x82: {  	_ =	shalt  }
0x83: {  	_ =	shalt  }
0x84: {  	_ =	shalt  }
0x85: {  	_ =	shalt  }
0x86: {  	_ =	shalt  }
0x87: {  	_ =	shalt  }
.Lfunc_end0:
.L_simem_size_0:
called_computation_lowered:
.L_overlay_start_0:
0x88: {  	s2 =	sld [smem:$0x3FD9]  }
0x89: {  	s3 =	sld [smem:$0x3FFE];
	_ =	sdelay $0x1  }
0x8a: {  	s1 =	srdreg.scid  }
0x8b: {  	s0 =	sand.u32 $0x1, s1  }
0x8c: {  	s14 =	sshll.u32 s0, $0xA;
	s2 =	sadd.s32 s3, s2  }
0x8d: {  	s2 =	sadd.s32 s2, s14  }
0x8e: {  	[smem:$0x3FC3] =	sst s2  }
0x8f: {  	_ = 	snop  }
0x90: {  	s2 =	sld [smem:$0x3FD0];
	_ =	sdelay $0x2  }
0x91: {  	s15 =	simm.s32 $0xA;
	s4 =	simm.s32 $0x10  }
0x92: {  	[smem:s4], [sflag:s15] =	dma.local [hbm:s2], $0x1  }
0x93: {  	_ =	swait.eq [sflag:s15], $0x1  }
0x94: {  	[sflag:s15] =	ssyncset.done $0x0  }
0x95: {  	[sflag:s15] =	ssyncadd.s32 $0xFFFFFFFF  }
0x96: {  	s16 =	sld [smem:$0x14];
	(tm) =	ssettm $0x1  }
0x97: {  	s17 =	sld [smem:$0x3FFB];
	_ =	sdelay $0x3  }
0x98: {  	_ =	strace s17  }
0x99: {  	s3 =	sld [smem:$0x3FFC];
	_ =	sdelay $0x3  }
0x9a: {  	_ =	strace s3  }
0x9b: {  	s3 =	sld [smem:$0x3FFD];
	_ =	sdelay $0x3  }
0x9c: {  	_ =	strace s3  }
0x9d: {  	_ =	strace $0x8FFFFFFF  }
0x9e: {  	s18 =	sld [smem:$0x3FDB];
	_ =	sdelay $0x1  }
0x9f: {  	s19 =	simm.s32 $_scs_section_size  }
0xa0: {  	s5 =	simm.s32 $_size__tile_overlayer_lowered;
	s6 =	simm.s32 $_tile_overlayer_lowered  }
0xa1: {  	s22 =	simm.s32 $0x1BFF;
	s21 =	sshll.u32 s6, $0x1;
	s3 =	sadd.s32 s19, s18  }
0xa2: {  	s7 =	simm.s32 $0x0;
	s20 =	sshll.u32 s5, $0x1;
	s5 =	sadd.s32 s21, s3  }
0xa3: {  	[timem:s7], [sflag:s22] =	dma.local [hbm:s5], s20  }
0xa4: {  	_ =	swait.ge [sflag:s22], s20  }
0xa5: {  	s4 =	ssub.s32 $0x0, s20;
	[sflag:s22] =	ssyncset.done $0x0  }
0xa6: {  	[sflag:s22] =	ssyncadd.s32 s4;
	_ =	sdelay $0x1  }
0xa7: {  	s23 =	simm.s32 $0x1B8B  }
0xa8: {  	_ =	swait.ge [sflag:s23], $0x1  }
0xa9: {  	[sflag:s23] =	ssyncset.done $0x0  }
0xaa: {  	s25 =	simm.s32 $0x1B8E;
	s24 =	sld [smem:$0x3FFE];
	[sflag:s23] =	ssyncadd.s32 $0xFFFFFFFF  }
0xab: {  	s26 =	simm.s32 $execute0_lowered;
	[smem:$0x3FD2] =	sst s25  }
0xac: {  	s5 =	sshll.u32 s26, $0x1;
	_ =	strace $0x80000046;
	[dreg:$0x1] =	wrdreg $0xFFFFFFFF  }
0xad: {  	s28 =	simm.s32 $_size_execute0_lowered;
	s3 =	sadd.s32 s3, s5;
	[dreg:$0x0] =	wrdreg $0x0  }
0xae: {  	s5 =	sshll.u32 s28, $0x1;
	[dreg:$0x2] =	wrdreg s3  }
0xaf: {  	[dreg:$0x3] =	wrdreg s5  }
0xb0: {  	[dreg:$0x4] =	wrdreg $0xC0  }
0xb1: {  	_ =	task [dreg:s7], $0x5FFFF  }
0xb2: {  	[dreg:$0x1] =	wrdreg $0xFFFFFFFF  }
0xb3: {  	[dreg:$0x0] =	wrdreg $0x60  }
0xb4: {  	[dreg:$0x2] =	wrdreg s16  }
0xb5: {  	[dreg:$0x3] =	wrdreg s24  }
0xb6: {  	[dreg:$0x4] =	wrdreg $0x9  }
0xb7: {  	_ =	task.clear_ibuf [dreg:s7], $0x5FFFF;
	_ =	strace $0x90000046  }
0xb8: {  	s29 =	simm.s32 $0x9;
	_ =	strace $0x80000048  }
0xb9: {  	_ =	swait.ge [sflag:s29], $0x1  }
0xba: {  	[sflag:s29] =	ssyncadd.s32 $0xFFFFFFFF  }
0xbb: {  	_ =	strace $0x90000048  }
0xbc: {  	_ =	sfence  }
0xbd: {  	s30 =	sld [smem:$0x0];
	_ =	sdelay $0x2  }
0xbe: {  	s31 =	sshll.u32 s1, $0xD;
	s1 =	sshrl.u32 s1, $0x2  }
0xbf: {  	s3 =	sand.u32 $0x4000, s31;
	s1 =	sadd.s32 s1, s30  }
0xc0: {  	s0 =	sor.u32 s3, s0;
	s1 =	sshll.u32 s1, $0x11  }
0xc1: {  	s0 =	sor.u32 s1, s0  }
0xc2: {  	s0 =	sadd.s32 $0x8F2B, s0  }
0xc3: {  	[sflag:s0] =	ssyncadd.remote.s32 $0x1  }
0xc4: {  	_ =	sfence.sel $0xFFFF  }
0xc5: {  	[dreg:$0x0] =	wrdreg $0xFFFFFFFF;
	(pc) =	sbr.abs _section_cstart, $3  }
0xc6: {  	[dreg:$0x1] =	wrdreg $0xFFFFFFFF  }
0xc7: {  	_ =	task.clear_ibuf [dreg:s7], $0x2FFFF;
	_ =	strace $0x9FFFFFFF  }
0xc8: {  	(tm) =	ssettm $0x7FFFFFFF  }
0xc9: {  	_ =	shalt  }
tec
execute0_lowered:
.L_overlay_start_1:
0x0: {  	(tag) =	ssettag $0x1  }
0x1: {  	s0 =	srdreg.scid;
	s2 =	stileid.u32  }
0x2: {  	s5 =	rddreg [dreg:$0x1];
	s0 =	sand.u32 $0x1, s0;
	s1 =	sshll.u32 s2, $0x1  }
0x3: {  	s30 =	simm.s32 $0x80;
	s3 =	sshrl.u32 s2, $0x2;
	s1 =	sor.u32 s0, s1  }
0x4: {  	s31 =	simm.s32 $0x400;
	s4 =	smul.u32 $0xC00, s3;
	s14 =	sshll.u32 s1, $0x7  }
0x5: {  	s2 =	rddreg [dreg:$0x0];
	s3 =	simm.s32 $0x0;
	s6 =	sand.u32 $0x380, s14  }
0x6: {  	[smem:$0x7FF] =	sst s3;
	s15 =	smul.u32 $0x6000, s1;
	s4 =	sor.u32 s4, s6  }
0x7: {  	_ =	strace $0x80000047;
	[dreg:$0x10] =	wrdreg s30;
	s4 =	sshrl.u32 s4, $0x3  }
0x8: {  	s1 =	smul.u32 $0xC00, s1;
	[dreg:$0x11] =	wrdreg s31;
	s4 =	sadd.s32 s4, s5  }
0x9: {  	s6 =	sshrl.u32 s15, $0x3;
	s5 =	sadd.s32 $0x2600, s5;
	s4 =	sadd.s32 $0x2000, s4  }
0xa: {  	s1 =	sadd.s32 s5, s1;
	s16 =	sadd.s32 s5, s6;
	[dreg:$0x3] =	wrdreg s4  }
0xb: {  	[dreg:$0x4] =	wrdreg s1;
	s17 =	sadd.s32 $0x18000, s16  }
0xc: {  	s18 =	sadd.s32 $0x30000, s16;
	[dreg:$0x5] =	wrdreg s17  }
0xd: {  	s7 =	simm.s32 $0x3;
	s19 =	sadd.s32 $0x48000, s16;
	[dreg:$0x6] =	wrdreg s18  }
0xe: {  	s9 =	simm.s32 $0x2;
	s20 =	sadd.s32 $0x60000, s16;
	[dreg:$0x7] =	wrdreg s19  }
0xf: {  	s0 =	ssub.s32 $0x2, s0;
	s21 =	sadd.s32 $0x78000, s16;
	[dreg:$0x8] =	wrdreg s20  }
0x10: {  	s28 =	sshrl.u32 s0, $0x1;
	s22 =	sadd.s32 $0x90000, s16;
	[dreg:$0x9] =	wrdreg s21  }
0x11: {  	s0 =	ssub.s32 s0, s28;
	s23 =	sadd.s32 $0xA8000, s16;
	[dreg:$0xa] =	wrdreg s22  }
0x12: {  	s5 =	sadd.s32 $0x200, s2;
	s24 =	sadd.s32 $0xC0000, s16;
	[dreg:$0xb] =	wrdreg s23  }
0x13: {  	s6 =	smax.u32 s0, $0x1;
	s25 =	sadd.s32 $0xD8000, s16;
	[dreg:$0xc] =	wrdreg s24  }
0x14: {  	v2 =	vlaneseq.u32;
	s0 =	simm.s32 $0x1;
	s26 =	sadd.s32 $0xF0000, s16;
	[dreg:$0xd] =	wrdreg s25  }
0x15: {  	vm0 =	vmmov $0xffff;
	v1 =	vshrl.u32 v2, $0x3;
	s29 =	sadd.s32 $0x108000, s16;
	s4 =	sadd.s32 $0x100, s2;
	[dreg:$0xe] =	wrdreg s26  }
0x16: {  	v0 =	vand.u32 $0x7, v2;
	v2 =	vor.u32 $0x8, v2;
	v1 =	vmul.u32 $0x8, v1;
	[dreg:$0xf] =	wrdreg s29;
	s23 =	simm.s32 $0x180;
	s20 =	simm.s32 $0x6180  }
.LBB2_1:
0x17: {  	s10 =	rddreg [dreg:$0x3]  }
0x18: {  	s11 =	rddreg [dreg:$0x10]  }
0x19: {  	s12 =	rddreg [dreg:$0x11]  }
0x1a: {  	[tilespmem:s3], [sflag:$0x3] =	stream.strided.gather [hbm4b:s10+s11], $0x180, s12, s11, $0x38;
	[tilespmem:$0xC180] =	vst v63  }
0x1b: {  	_ =	swait.ge [sflag:s7], $0x180  }
0x1c: {  	[sflag:s7] =	ssyncset.done $0x0  }
0x1d: {  	[sflag:s7] =	ssyncadd.s32 $0xFFFFFE80  }
0x1e: {  	v3 =	vld [tilespmem:$0x0];
	_ =	sdelay $0x4  }
0x1f: {  	v4 =	vshrl.u32 v3, $0x3  }
0x20: {  	v4 =	vmul.u32 $0x30, v4  }
0x21: {  	v3 =	vand.u32 $0x7, v3  }
0x22: {  	v3 =	vor.u32 v3, v4  }
0x23: {  	v4 =	vperm.xlane v3, v0;
	_ =	sdelay $0x1  }
0x24: {  	v4 =	vadd.s32 v1, v4;
	_ =	sdelay $0x3  }
0x25: {  	v3 =	vperm.xlane v3, v2  }
0x26: {  	[tilespmem:s23], [sflag:$0x1] =	stream.indirect_vreg.gather [hbm4b:s2+s3], $0x80, v4, vm0, $0xb8;
	[tilespmem:$0xC180] =	vst v63  }
0x27: {  	s1 =	simm.s32 $0x980;
	v3 =	vadd.s32 v1, v3  }
0x28: {  	[tilespmem:s1], [sflag:$0x1] =	stream.indirect_vreg.gather [hbm4b:s4+s3], $0x80, v4, vm0, $0xb8;
	[tilespmem:$0xC180] =	vst v63  }
0x29: {  	s31 =	simm.s32 $0x1180  }
0x2a: {  	[tilespmem:s31], [sflag:$0x1] =	stream.indirect_vreg.gather [hbm4b:s5+s3], $0x80, v4, vm0, $0xb8;
	[tilespmem:$0xC180] =	vst v63  }
0x2b: {  	s8 =	simm.s32 $0x1980  }
0x2c: {  	[tilespmem:s8], [sflag:$0x1] =	stream.indirect_vreg.gather [hbm4b:s2+s3], $0x80, v3, vm0, $0xb8;
	[tilespmem:$0xC180] =	vst v63  }
0x2d: {  	s10 =	simm.s32 $0x2180  }
0x2e: {  	[tilespmem:s10], [sflag:$0x1] =	stream.indirect_vreg.gather [hbm4b:s4+s3], $0x80, v3, vm0, $0xb8;
	[tilespmem:$0xC180] =	vst v63  }
0x2f: {  	s11 =	simm.s32 $0x2980  }
0x30: {  	[tilespmem:s11], [sflag:$0x1] =	stream.indirect_vreg.gather [hbm4b:s5+s3], $0x80, v3, vm0, $0xb8;
	[tilespmem:$0xC180] =	vst v63  }
0x31: {  	v3 =	vld [tilespmem:$0x10];
	_ =	sdelay $0x4  }
0x32: {  	v41 =	vshrl.u32 v3, $0x3  }
0x33: {  	v4 =	vmul.u32 $0x30, v41  }
0x34: {  	v3 =	vand.u32 $0x7, v3  }
0x35: {  	v3 =	vor.u32 v3, v4  }
0x36: {  	v4 =	vperm.xlane v3, v0;
	_ =	sdelay $0x1  }
0x37: {  	v4 =	vadd.s32 v1, v4;
	_ =	sdelay $0x3  }
0x38: {  	s12 =	simm.s32 $0x3180;
	v3 =	vperm.xlane v3, v2  }
0x39: {  	[tilespmem:s12], [sflag:$0x1] =	stream.indirect_vreg.gather [hbm4b:s2+s3], $0x80, v4, vm0, $0xb8;
	[tilespmem:$0xC180] =	vst v63  }
0x3a: {  	s13 =	simm.s32 $0x3980;
	v3 =	vadd.s32 v1, v3  }
0x3b: {  	[tilespmem:s13], [sflag:$0x1] =	stream.indirect_vreg.gather [hbm4b:s4+s3], $0x80, v4, vm0, $0xb8;
	[tilespmem:$0xC180] =	vst v63  }
0x3c: {  	s18 =	simm.s32 $0x4180  }
0x3d: {  	[tilespmem:s18], [sflag:$0x1] =	stream.indirect_vreg.gather [hbm4b:s5+s3], $0x80, v4, vm0, $0xb8;
	[tilespmem:$0xC180] =	vst v63  }
0x3e: {  	s19 =	simm.s32 $0x4980  }
0x3f: {  	[tilespmem:s19], [sflag:$0x1] =	stream.indirect_vreg.gather [hbm4b:s2+s3], $0x80, v3, vm0, $0xb8;
	[tilespmem:$0xC180] =	vst v63  }
0x40: {  	s21 =	simm.s32 $0x5180  }
0x41: {  	[tilespmem:s21], [sflag:$0x1] =	stream.indirect_vreg.gather [hbm4b:s4+s3], $0x80, v3, vm0, $0xb8;
	[tilespmem:$0xC180] =	vst v63  }
0x42: {  	s22 =	simm.s32 $0x5980  }
0x43: {  	[tilespmem:s22], [sflag:$0x1] =	stream.indirect_vreg.gather [hbm4b:s5+s3], $0x80, v3, vm0, $0xb8;
	[tilespmem:$0xC180] =	vst v63  }
0x44: {  	v3 =	vld [tilespmem:$0x20];
	_ =	sdelay $0x4  }
0x45: {  	v42 =	vshrl.u32 v3, $0x3  }
0x46: {  	v4 =	vmul.u32 $0x30, v42  }
0x47: {  	v3 =	vand.u32 $0x7, v3  }
0x48: {  	v3 =	vor.u32 v3, v4  }
0x49: {  	v4 =	vperm.xlane v3, v0;
	_ =	sdelay $0x1  }
0x4a: {  	v4 =	vadd.s32 v1, v4;
	_ =	sdelay $0x3  }
0x4b: {  	v3 =	vperm.xlane v3, v2  }
0x4c: {  	[tilespmem:s20], [sflag:$0x2] =	stream.indirect_vreg.gather [hbm4b:s2+s3], $0x80, v4, vm0, $0xb8;
	[tilespmem:$0xC180] =	vst v63  }
0x4d: {  	s24 =	simm.s32 $0x6980;
	v3 =	vadd.s32 v1, v3  }
0x4e: {  	[tilespmem:s24], [sflag:$0x2] =	stream.indirect_vreg.gather [hbm4b:s4+s3], $0x80, v4, vm0, $0xb8;
	[tilespmem:$0xC180] =	vst v63  }
0x4f: {  	s29 =	simm.s32 $0x7180  }
0x50: {  	[tilespmem:s29], [sflag:$0x2] =	stream.indirect_vreg.gather [hbm4b:s5+s3], $0x80, v4, vm0, $0xb8;
	[tilespmem:$0xC180] =	vst v63  }
0x51: {  	s30 =	simm.s32 $0x7980  }
0x52: {  	[tilespmem:s30], [sflag:$0x2] =	stream.indirect_vreg.gather [hbm4b:s2+s3], $0x80, v3, vm0, $0xb8;
	[tilespmem:$0xC180] =	vst v63  }
0x53: {  	s10 =	simm.s32 $0x8180  }
0x54: {  	[tilespmem:s10], [sflag:$0x2] =	stream.indirect_vreg.gather [hbm4b:s4+s3], $0x80, v3, vm0, $0xb8;
	[tilespmem:$0xC180] =	vst v63  }
0x55: {  	s11 =	simm.s32 $0x8980  }
0x56: {  	[tilespmem:s11], [sflag:$0x2] =	stream.indirect_vreg.gather [hbm4b:s5+s3], $0x80, v3, vm0, $0xb8;
	[tilespmem:$0xC180] =	vst v63  }
0x57: {  	v3 =	vld [tilespmem:$0x30];
	_ =	sdelay $0x4  }
0x58: {  	v43 =	vshrl.u32 v3, $0x3  }
0x59: {  	v4 =	vmul.u32 $0x30, v43  }
0x5a: {  	v3 =	vand.u32 $0x7, v3  }
0x5b: {  	v3 =	vor.u32 v3, v4  }
0x5c: {  	v4 =	vperm.xlane v3, v0;
	_ =	sdelay $0x1  }
0x5d: {  	v4 =	vadd.s32 v1, v4;
	_ =	sdelay $0x3  }
0x5e: {  	s12 =	simm.s32 $0x9180;
	v3 =	vperm.xlane v3, v2  }
0x5f: {  	[tilespmem:s12], [sflag:$0x2] =	stream.indirect_vreg.gather [hbm4b:s2+s3], $0x80, v4, vm0, $0xb8;
	[tilespmem:$0xC180] =	vst v63  }
0x60: {  	s13 =	simm.s32 $0x9980;
	v3 =	vadd.s32 v1, v3  }
0x61: {  	[tilespmem:s13], [sflag:$0x2] =	stream.indirect_vreg.gather [hbm4b:s4+s3], $0x80, v4, vm0, $0xb8;
	[tilespmem:$0xC180] =	vst v63  }
0x62: {  	s18 =	simm.s32 $0xA180  }
0x63: {  	[tilespmem:s18], [sflag:$0x2] =	stream.indirect_vreg.gather [hbm4b:s5+s3], $0x80, v4, vm0, $0xb8;
	[tilespmem:$0xC180] =	vst v63  }
0x64: {  	s19 =	simm.s32 $0xA980  }
0x65: {  	[tilespmem:s19], [sflag:$0x2] =	stream.indirect_vreg.gather [hbm4b:s2+s3], $0x80, v3, vm0, $0xb8;
	[tilespmem:$0xC180] =	vst v63  }
0x66: {  	s21 =	simm.s32 $0xB180  }
0x67: {  	[tilespmem:s21], [sflag:$0x2] =	stream.indirect_vreg.gather [hbm4b:s4+s3], $0x80, v3, vm0, $0xb8;
	[tilespmem:$0xC180] =	vst v63  }
0x68: {  	s22 =	simm.s32 $0xB980  }
0x69: {  	[tilespmem:s22], [sflag:$0x2] =	stream.indirect_vreg.gather [hbm4b:s5+s3], $0x80, v3, vm0, $0xb8;
	[tilespmem:$0xC180] =	vst v63  }
0x6a: {  	_ =	swait.ge [sflag:s0], $0x6000  }
0x6b: {  	[sflag:s0] =	ssyncset.done $0x0  }
0x6c: {  	s24 =	rddreg [dreg:$0x4];
	[sflag:s0] =	ssyncadd.s32 $0xFFFFA000  }
0x6d: {  	[hbm4b:s24+s3] =	stream.linear.scatter [tilespmem:s23], [sflag:$0x3], $0x6000, $0x38;
	[tilespmem:$0xC180] =	vst v63  }
0x6e: {  	_ =	swait.ge [sflag:s7], $0x6000  }
0x6f: {  	[sflag:s7] =	ssyncset.done $0x0  }
0x70: {  	[sflag:s7] =	ssyncadd.s32 $0xFFFFA000  }
0x71: {  	v3 =	vld [tilespmem:$0x40];
	_ =	sdelay $0x4  }
0x72: {  	v44 =	vshrl.u32 v3, $0x3  }
0x73: {  	v4 =	vmul.u32 $0x30, v44  }
0x74: {  	v3 =	vand.u32 $0x7, v3  }
0x75: {  	v3 =	vor.u32 v3, v4  }
0x76: {  	v4 =	vperm.xlane v3, v0;
	_ =	sdelay $0x1  }
0x77: {  	v4 =	vadd.s32 v1, v4;
	_ =	sdelay $0x3  }
0x78: {  	v3 =	vperm.xlane v3, v2  }
0x79: {  	[tilespmem:s23], [sflag:$0x1] =	stream.indirect_vreg.gather [hbm4b:s2+s3], $0x80, v4, vm0, $0xb8;
	[tilespmem:$0xC180] =	vst v63  }
0x7a: {  	s14 =	simm.s32 $0x980;
	v3 =	vadd.s32 v1, v3  }
0x7b: {  	[tilespmem:s14], [sflag:$0x1] =	stream.indirect_vreg.gather [hbm4b:s4+s3], $0x80, v4, vm0, $0xb8;
	[tilespmem:$0xC180] =	vst v63  }
0x7c: {  	s16 =	simm.s32 $0x1180  }
0x7d: {  	[tilespmem:s16], [sflag:$0x1] =	stream.indirect_vreg.gather [hbm4b:s5+s3], $0x80, v4, vm0, $0xb8;
	[tilespmem:$0xC180] =	vst v63  }
0x7e: {  	s17 =	simm.s32 $0x1980  }
0x7f: {  	[tilespmem:s17], [sflag:$0x1] =	stream.indirect_vreg.gather [hbm4b:s2+s3], $0x80, v3, vm0, $0xb8;
	[tilespmem:$0xC180] =	vst v63  }
0x80: {  	s8 =	simm.s32 $0x2180  }
0x81: {  	[tilespmem:s8], [sflag:$0x1] =	stream.indirect_vreg.gather [hbm4b:s4+s3], $0x80, v3, vm0, $0xb8;
	[tilespmem:$0xC180] =	vst v63  }
0x82: {  	s15 =	simm.s32 $0x2980  }
0x83: {  	[tilespmem:s15], [sflag:$0x1] =	stream.indirect_vreg.gather [hbm4b:s5+s3], $0x80, v3, vm0, $0xb8;
	[tilespmem:$0xC180] =	vst v63  }
0x84: {  	v3 =	vld [tilespmem:$0x50];
	_ =	sdelay $0x4  }
0x85: {  	v45 =	vshrl.u32 v3, $0x3  }
0x86: {  	v4 =	vmul.u32 $0x30, v45  }
0x87: {  	v3 =	vand.u32 $0x7, v3  }
0x88: {  	v3 =	vor.u32 v3, v4  }
0x89: {  	v4 =	vperm.xlane v3, v0;
	_ =	sdelay $0x1  }
0x8a: {  	v4 =	vadd.s32 v1, v4;
	_ =	sdelay $0x3  }
0x8b: {  	s25 =	simm.s32 $0x3180;
	v3 =	vperm.xlane v3, v2  }
0x8c: {  	[tilespmem:s25], [sflag:$0x1] =	stream.indirect_vreg.gather [hbm4b:s2+s3], $0x80, v4, vm0, $0xb8;
	[tilespmem:$0xC180] =	vst v63  }
0x8d: {  	s26 =	simm.s32 $0x3980;
	v3 =	vadd.s32 v1, v3  }
0x8e: {  	[tilespmem:s26], [sflag:$0x1] =	stream.indirect_vreg.gather [hbm4b:s4+s3], $0x80, v4, vm0, $0xb8;
	[tilespmem:$0xC180] =	vst v63  }
0x8f: {  	s28 =	simm.s32 $0x4180  }
0x90: {  	[tilespmem:s28], [sflag:$0x1] =	stream.indirect_vreg.gather [hbm4b:s5+s3], $0x80, v4, vm0, $0xb8;
	[tilespmem:$0xC180] =	vst v63  }
0x91: {  	s31 =	simm.s32 $0x4980  }
0x92: {  	[tilespmem:s31], [sflag:$0x1] =	stream.indirect_vreg.gather [hbm4b:s2+s3], $0x80, v3, vm0, $0xb8;
	[tilespmem:$0xC180] =	vst v63  }
0x93: {  	s14 =	simm.s32 $0x5180  }
0x94: {  	[tilespmem:s14], [sflag:$0x1] =	stream.indirect_vreg.gather [hbm4b:s4+s3], $0x80, v3, vm0, $0xb8;
	[tilespmem:$0xC180] =	vst v63  }
0x95: {  	s22 =	simm.s32 $0x5980  }
0x96: {  	[tilespmem:s22], [sflag:$0x1] =	stream.indirect_vreg.gather [hbm4b:s5+s3], $0x80, v3, vm0, $0xb8;
	[tilespmem:$0xC180] =	vst v63  }
0x97: {  	_ =	swait.ge [sflag:s9], $0x6000  }
0x98: {  	[sflag:s9] =	ssyncset.done $0x0  }
0x99: {  	s28 =	rddreg [dreg:$0x5];
	[sflag:s9] =	ssyncadd.s32 $0xFFFFA000  }
0x9a: {  	[hbm4b:s28+s3] =	stream.linear.scatter [tilespmem:s20], [sflag:$0x3], $0x6000, $0x38;
	[tilespmem:$0xC180] =	vst v63  }
0x9b: {  	_ =	swait.ge [sflag:s7], $0x6000  }
0x9c: {  	[sflag:s7] =	ssyncset.done $0x0  }
0x9d: {  	[sflag:s7] =	ssyncadd.s32 $0xFFFFA000  }
0x9e: {  	v3 =	vld [tilespmem:$0x60];
	_ =	sdelay $0x4  }
0x9f: {  	v46 =	vshrl.u32 v3, $0x3  }
0xa0: {  	v4 =	vmul.u32 $0x30, v46  }
0xa1: {  	v3 =	vand.u32 $0x7, v3  }
0xa2: {  	v3 =	vor.u32 v3, v4  }
0xa3: {  	v4 =	vperm.xlane v3, v0;
	_ =	sdelay $0x1  }
0xa4: {  	v4 =	vadd.s32 v1, v4;
	_ =	sdelay $0x3  }
0xa5: {  	v3 =	vperm.xlane v3, v2  }
0xa6: {  	[tilespmem:s20], [sflag:$0x2] =	stream.indirect_vreg.gather [hbm4b:s2+s3], $0x80, v4, vm0, $0xb8;
	[tilespmem:$0xC180] =	vst v63  }
0xa7: {  	s1 =	simm.s32 $0x6980;
	v3 =	vadd.s32 v1, v3  }
0xa8: {  	[tilespmem:s1], [sflag:$0x2] =	stream.indirect_vreg.gather [hbm4b:s4+s3], $0x80, v4, vm0, $0xb8;
	[tilespmem:$0xC180] =	vst v63  }
0xa9: {  	s8 =	simm.s32 $0x7180  }
0xaa: {  	[tilespmem:s8], [sflag:$0x2] =	stream.indirect_vreg.gather [hbm4b:s5+s3], $0x80, v4, vm0, $0xb8;
	[tilespmem:$0xC180] =	vst v63  }
0xab: {  	s25 =	simm.s32 $0x7980  }
0xac: {  	[tilespmem:s25], [sflag:$0x2] =	stream.indirect_vreg.gather [hbm4b:s2+s3], $0x80, v3, vm0, $0xb8;
	[tilespmem:$0xC180] =	vst v63  }
0xad: {  	s26 =	simm.s32 $0x8180  }
0xae: {  	[tilespmem:s26], [sflag:$0x2] =	stream.indirect_vreg.gather [hbm4b:s4+s3], $0x80, v3, vm0, $0xb8;
	[tilespmem:$0xC180] =	vst v63  }
0xaf: {  	s28 =	simm.s32 $0x8980  }
0xb0: {  	[tilespmem:s28], [sflag:$0x2] =	stream.indirect_vreg.gather [hbm4b:s5+s3], $0x80, v3, vm0, $0xb8;
	[tilespmem:$0xC180] =	vst v63  }
0xb1: {  	v3 =	vld [tilespmem:$0x70];
	_ =	sdelay $0x4  }
0xb2: {  	v47 =	vshrl.u32 v3, $0x3  }
0xb3: {  	v4 =	vmul.u32 $0x30, v47  }
0xb4: {  	v3 =	vand.u32 $0x7, v3  }
0xb5: {  	v3 =	vor.u32 v3, v4  }
0xb6: {  	v4 =	vperm.xlane v3, v0;
	_ =	sdelay $0x1  }
0xb7: {  	v4 =	vadd.s32 v1, v4;
	_ =	sdelay $0x3  }
0xb8: {  	s30 =	simm.s32 $0x9180;
	v3 =	vperm.xlane v3, v2  }
0xb9: {  	[tilespmem:s30], [sflag:$0x2] =	stream.indirect_vreg.gather [hbm4b:s2+s3], $0x80, v4, vm0, $0xb8;
	[tilespmem:$0xC180] =	vst v63  }
0xba: {  	v3 =	vadd.s32 v1, v3;
	s30 =	simm.s32 $0x9980  }
0xbb: {  	[tilespmem:s30], [sflag:$0x2] =	stream.indirect_vreg.gather [hbm4b:s4+s3], $0x80, v4, vm0, $0xb8;
	[tilespmem:$0xC180] =	vst v63  }
0xbc: {  	s31 =	simm.s32 $0xA180  }
0xbd: {  	[tilespmem:s31], [sflag:$0x2] =	stream.indirect_vreg.gather [hbm4b:s5+s3], $0x80, v4, vm0, $0xb8;
	[tilespmem:$0xC180] =	vst v63  }
0xbe: {  	s13 =	simm.s32 $0xA980  }
0xbf: {  	[tilespmem:s13], [sflag:$0x2] =	stream.indirect_vreg.gather [hbm4b:s2+s3], $0x80, v3, vm0, $0xb8;
	[tilespmem:$0xC180] =	vst v63  }
0xc0: {  	s12 =	simm.s32 $0xB180  }
0xc1: {  	[tilespmem:s12], [sflag:$0x2] =	stream.indirect_vreg.gather [hbm4b:s4+s3], $0x80, v3, vm0, $0xb8;
	[tilespmem:$0xC180] =	vst v63  }
0xc2: {  	s11 =	simm.s32 $0xB980  }
0xc3: {  	[tilespmem:s11], [sflag:$0x2] =	stream.indirect_vreg.gather [hbm4b:s5+s3], $0x80, v3, vm0, $0xb8;
	[tilespmem:$0xC180] =	vst v63  }
0xc4: {  	_ =	swait.ge [sflag:s0], $0x6000  }
0xc5: {  	[sflag:s0] =	ssyncset.done $0x0  }
0xc6: {  	s10 =	rddreg [dreg:$0x6];
	[sflag:s0] =	ssyncadd.s32 $0xFFFFA000  }
0xc7: {  	[hbm4b:s10+s3] =	stream.linear.scatter [tilespmem:s23], [sflag:$0x3], $0x6000, $0x38;
	[tilespmem:$0xC180] =	vst v63  }
0xc8: {  	_ =	swait.ge [sflag:s7], $0x6000  }
0xc9: {  	[sflag:s7] =	ssyncset.done $0x0  }
0xca: {  	[sflag:s7] =	ssyncadd.s32 $0xFFFFA000  }
0xcb: {  	v3 =	vld [tilespmem:$0x80];
	_ =	sdelay $0x4  }
0xcc: {  	v48 =	vshrl.u32 v3, $0x3  }
0xcd: {  	v4 =	vmul.u32 $0x30, v48  }
0xce: {  	v3 =	vand.u32 $0x7, v3  }
0xcf: {  	v3 =	vor.u32 v3, v4  }
0xd0: {  	v4 =	vperm.xlane v3, v0;
	_ =	sdelay $0x1  }
0xd1: {  	v4 =	vadd.s32 v1, v4;
	_ =	sdelay $0x3  }
0xd2: {  	v3 =	vperm.xlane v3, v2  }
0xd3: {  	[tilespmem:s23], [sflag:$0x1] =	stream.indirect_vreg.gather [hbm4b:s2+s3], $0x80, v4, vm0, $0xb8;
	[tilespmem:$0xC180] =	vst v63  }
0xd4: {  	s29 =	simm.s32 $0x980;
	v3 =	vadd.s32 v1, v3  }
0xd5: {  	[tilespmem:s29], [sflag:$0x1] =	stream.indirect_vreg.gather [hbm4b:s4+s3], $0x80, v4, vm0, $0xb8;
	[tilespmem:$0xC180] =	vst v63  }
0xd6: {  	s29 =	simm.s32 $0x1180  }
0xd7: {  	[tilespmem:s29], [sflag:$0x1] =	stream.indirect_vreg.gather [hbm4b:s5+s3], $0x80, v4, vm0, $0xb8;
	[tilespmem:$0xC180] =	vst v63  }
0xd8: {  	s29 =	simm.s32 $0x1980  }
0xd9: {  	[tilespmem:s29], [sflag:$0x1] =	stream.indirect_vreg.gather [hbm4b:s2+s3], $0x80, v3, vm0, $0xb8;
	[tilespmem:$0xC180] =	vst v63  }
0xda: {  	s16 =	simm.s32 $0x2180  }
0xdb: {  	[tilespmem:s16], [sflag:$0x1] =	stream.indirect_vreg.gather [hbm4b:s4+s3], $0x80, v3, vm0, $0xb8;
	[tilespmem:$0xC180] =	vst v63  }
0xdc: {  	s17 =	simm.s32 $0x2980  }
0xdd: {  	[tilespmem:s17], [sflag:$0x1] =	stream.indirect_vreg.gather [hbm4b:s5+s3], $0x80, v3, vm0, $0xb8;
	[tilespmem:$0xC180] =	vst v63  }
0xde: {  	v3 =	vld [tilespmem:$0x90];
	_ =	sdelay $0x4  }
0xdf: {  	v49 =	vshrl.u32 v3, $0x3  }
0xe0: {  	v4 =	vmul.u32 $0x30, v49  }
0xe1: {  	v3 =	vand.u32 $0x7, v3  }
0xe2: {  	v3 =	vor.u32 v3, v4  }
0xe3: {  	v4 =	vperm.xlane v3, v0;
	_ =	sdelay $0x1  }
0xe4: {  	v4 =	vadd.s32 v1, v4;
	_ =	sdelay $0x3  }
0xe5: {  	s18 =	simm.s32 $0x3180;
	v3 =	vperm.xlane v3, v2  }
0xe6: {  	[tilespmem:s18], [sflag:$0x1] =	stream.indirect_vreg.gather [hbm4b:s2+s3], $0x80, v4, vm0, $0xb8;
	[tilespmem:$0xC180] =	vst v63  }
0xe7: {  	s19 =	simm.s32 $0x3980;
	v3 =	vadd.s32 v1, v3  }
0xe8: {  	[tilespmem:s19], [sflag:$0x1] =	stream.indirect_vreg.gather [hbm4b:s4+s3], $0x80, v4, vm0, $0xb8;
	[tilespmem:$0xC180] =	vst v63  }
0xe9: {  	s21 =	simm.s32 $0x4180  }
0xea: {  	[tilespmem:s21], [sflag:$0x1] =	stream.indirect_vreg.gather [hbm4b:s5+s3], $0x80, v4, vm0, $0xb8;
	[tilespmem:$0xC180] =	vst v63  }
0xeb: {  	s24 =	simm.s32 $0x4980  }
0xec: {  	[tilespmem:s24], [sflag:$0x1] =	stream.indirect_vreg.gather [hbm4b:s2+s3], $0x80, v3, vm0, $0xb8;
	[tilespmem:$0xC180] =	vst v63  }
0xed: {  	_ = 	snop  }
0xee: {  	[tilespmem:s14], [sflag:$0x1] =	stream.indirect_vreg.gather [hbm4b:s4+s3], $0x80, v3, vm0, $0xb8;
	[tilespmem:$0xC180] =	vst v63  }
0xef: {  	_ = 	snop  }
0xf0: {  	[tilespmem:s22], [sflag:$0x1] =	stream.indirect_vreg.gather [hbm4b:s5+s3], $0x80, v3, vm0, $0xb8;
	[tilespmem:$0xC180] =	vst v63  }
0xf1: {  	_ =	swait.ge [sflag:s9], $0x6000  }
0xf2: {  	[sflag:s9] =	ssyncset.done $0x0  }
0xf3: {  	s29 =	rddreg [dreg:$0x7];
	[sflag:s9] =	ssyncadd.s32 $0xFFFFA000  }
0xf4: {  	[hbm4b:s29+s3] =	stream.linear.scatter [tilespmem:s20], [sflag:$0x3], $0x6000, $0x38;
	[tilespmem:$0xC180] =	vst v63  }
0xf5: {  	_ =	swait.ge [sflag:s7], $0x6000  }
0xf6: {  	[sflag:s7] =	ssyncset.done $0x0  }
0xf7: {  	[sflag:s7] =	ssyncadd.s32 $0xFFFFA000  }
0xf8: {  	v3 =	vld [tilespmem:$0xA0];
	_ =	sdelay $0x4  }
0xf9: {  	v50 =	vshrl.u32 v3, $0x3  }
0xfa: {  	v4 =	vmul.u32 $0x30, v50  }
0xfb: {  	v3 =	vand.u32 $0x7, v3  }
0xfc: {  	v3 =	vor.u32 v3, v4  }
0xfd: {  	v4 =	vperm.xlane v3, v0;
	_ =	sdelay $0x1  }
0xfe: {  	v4 =	vadd.s32 v1, v4;
	_ =	sdelay $0x3  }
0xff: {  	v3 =	vperm.xlane v3, v2  }
0x100: {  	[tilespmem:s20], [sflag:$0x2] =	stream.indirect_vreg.gather [hbm4b:s2+s3], $0x80, v4, vm0, $0xb8;
	[tilespmem:$0xC180] =	vst v63  }
0x101: {  	v3 =	vadd.s32 v1, v3  }
0x102: {  	[tilespmem:s1], [sflag:$0x2] =	stream.indirect_vreg.gather [hbm4b:s4+s3], $0x80, v4, vm0, $0xb8;
	[tilespmem:$0xC180] =	vst v63  }
0x103: {  	_ = 	snop  }
0x104: {  	[tilespmem:s8], [sflag:$0x2] =	stream.indirect_vreg.gather [hbm4b:s5+s3], $0x80, v4, vm0, $0xb8;
	[tilespmem:$0xC180] =	vst v63  }
0x105: {  	_ = 	snop  }
0x106: {  	[tilespmem:s25], [sflag:$0x2] =	stream.indirect_vreg.gather [hbm4b:s2+s3], $0x80, v3, vm0, $0xb8;
	[tilespmem:$0xC180] =	vst v63  }
0x107: {  	_ = 	snop  }
0x108: {  	[tilespmem:s26], [sflag:$0x2] =	stream.indirect_vreg.gather [hbm4b:s4+s3], $0x80, v3, vm0, $0xb8;
	[tilespmem:$0xC180] =	vst v63  }
0x109: {  	_ = 	snop  }
0x10a: {  	[tilespmem:s28], [sflag:$0x2] =	stream.indirect_vreg.gather [hbm4b:s5+s3], $0x80, v3, vm0, $0xb8;
	[tilespmem:$0xC180] =	vst v63  }
0x10b: {  	v3 =	vld [tilespmem:$0xB0];
	_ =	sdelay $0x4  }
0x10c: {  	v51 =	vshrl.u32 v3, $0x3  }
0x10d: {  	v4 =	vmul.u32 $0x30, v51  }
0x10e: {  	v3 =	vand.u32 $0x7, v3  }
0x10f: {  	v3 =	vor.u32 v3, v4  }
0x110: {  	v4 =	vperm.xlane v3, v0;
	_ =	sdelay $0x1  }
0x111: {  	v4 =	vadd.s32 v1, v4;
	_ =	sdelay $0x3  }
0x112: {  	s15 =	simm.s32 $0x9180;
	v3 =	vperm.xlane v3, v2  }
0x113: {  	[tilespmem:s15], [sflag:$0x2] =	stream.indirect_vreg.gather [hbm4b:s2+s3], $0x80, v4, vm0, $0xb8;
	[tilespmem:$0xC180] =	vst v63  }
0x114: {  	v3 =	vadd.s32 v1, v3  }
0x115: {  	[tilespmem:s30], [sflag:$0x2] =	stream.indirect_vreg.gather [hbm4b:s4+s3], $0x80, v4, vm0, $0xb8;
	[tilespmem:$0xC180] =	vst v63  }
0x116: {  	_ = 	snop  }
0x117: {  	[tilespmem:s31], [sflag:$0x2] =	stream.indirect_vreg.gather [hbm4b:s5+s3], $0x80, v4, vm0, $0xb8;
	[tilespmem:$0xC180] =	vst v63  }
0x118: {  	s13 =	simm.s32 $0xA980  }
0x119: {  	[tilespmem:s13], [sflag:$0x2] =	stream.indirect_vreg.gather [hbm4b:s2+s3], $0x80, v3, vm0, $0xb8;
	[tilespmem:$0xC180] =	vst v63  }
0x11a: {  	s12 =	simm.s32 $0xB180  }
0x11b: {  	[tilespmem:s12], [sflag:$0x2] =	stream.indirect_vreg.gather [hbm4b:s4+s3], $0x80, v3, vm0, $0xb8;
	[tilespmem:$0xC180] =	vst v63  }
0x11c: {  	s11 =	simm.s32 $0xB980  }
0x11d: {  	[tilespmem:s11], [sflag:$0x2] =	stream.indirect_vreg.gather [hbm4b:s5+s3], $0x80, v3, vm0, $0xb8;
	[tilespmem:$0xC180] =	vst v63  }
0x11e: {  	_ =	swait.ge [sflag:s0], $0x6000  }
0x11f: {  	[sflag:s0] =	ssyncset.done $0x0  }
0x120: {  	s31 =	rddreg [dreg:$0x8];
	[sflag:s0] =	ssyncadd.s32 $0xFFFFA000  }
0x121: {  	[hbm4b:s31+s3] =	stream.linear.scatter [tilespmem:s23], [sflag:$0x3], $0x6000, $0x38;
	[tilespmem:$0xC180] =	vst v63  }
0x122: {  	_ =	swait.ge [sflag:s7], $0x6000  }
0x123: {  	[sflag:s7] =	ssyncset.done $0x0  }
0x124: {  	[sflag:s7] =	ssyncadd.s32 $0xFFFFA000  }
0x125: {  	v3 =	vld [tilespmem:$0xC0];
	_ =	sdelay $0x4  }
0x126: {  	v52 =	vshrl.u32 v3, $0x3  }
0x127: {  	v4 =	vmul.u32 $0x30, v52  }
0x128: {  	v3 =	vand.u32 $0x7, v3  }
0x129: {  	v3 =	vor.u32 v3, v4  }
0x12a: {  	v4 =	vperm.xlane v3, v0;
	_ =	sdelay $0x1  }
0x12b: {  	v4 =	vadd.s32 v1, v4;
	_ =	sdelay $0x3  }
0x12c: {  	v3 =	vperm.xlane v3, v2  }
0x12d: {  	[tilespmem:s23], [sflag:$0x1] =	stream.indirect_vreg.gather [hbm4b:s2+s3], $0x80, v4, vm0, $0xb8;
	[tilespmem:$0xC180] =	vst v63  }
0x12e: {  	s28 =	simm.s32 $0x980;
	v3 =	vadd.s32 v1, v3  }
0x12f: {  	[tilespmem:s28], [sflag:$0x1] =	stream.indirect_vreg.gather [hbm4b:s4+s3], $0x80, v4, vm0, $0xb8;
	[tilespmem:$0xC180] =	vst v63  }
0x130: {  	s30 =	simm.s32 $0x1180  }
0x131: {  	[tilespmem:s30], [sflag:$0x1] =	stream.indirect_vreg.gather [hbm4b:s5+s3], $0x80, v4, vm0, $0xb8;
	[tilespmem:$0xC180] =	vst v63  }
0x132: {  	s31 =	simm.s32 $0x1980  }
0x133: {  	[tilespmem:s31], [sflag:$0x1] =	stream.indirect_vreg.gather [hbm4b:s2+s3], $0x80, v3, vm0, $0xb8;
	[tilespmem:$0xC180] =	vst v63  }
0x134: {  	s16 =	simm.s32 $0x2180  }
0x135: {  	[tilespmem:s16], [sflag:$0x1] =	stream.indirect_vreg.gather [hbm4b:s4+s3], $0x80, v3, vm0, $0xb8;
	[tilespmem:$0xC180] =	vst v63  }
0x136: {  	s17 =	simm.s32 $0x2980  }
0x137: {  	[tilespmem:s17], [sflag:$0x1] =	stream.indirect_vreg.gather [hbm4b:s5+s3], $0x80, v3, vm0, $0xb8;
	[tilespmem:$0xC180] =	vst v63  }
0x138: {  	v3 =	vld [tilespmem:$0xD0];
	_ =	sdelay $0x4  }
0x139: {  	v53 =	vshrl.u32 v3, $0x3  }
0x13a: {  	v4 =	vmul.u32 $0x30, v53  }
0x13b: {  	v3 =	vand.u32 $0x7, v3  }
0x13c: {  	v3 =	vor.u32 v3, v4  }
0x13d: {  	v4 =	vperm.xlane v3, v0;
	_ =	sdelay $0x1  }
0x13e: {  	v4 =	vadd.s32 v1, v4;
	_ =	sdelay $0x3  }
0x13f: {  	s18 =	simm.s32 $0x3180;
	v3 =	vperm.xlane v3, v2  }
0x140: {  	[tilespmem:s18], [sflag:$0x1] =	stream.indirect_vreg.gather [hbm4b:s2+s3], $0x80, v4, vm0, $0xb8;
	[tilespmem:$0xC180] =	vst v63  }
0x141: {  	s19 =	simm.s32 $0x3980;
	v3 =	vadd.s32 v1, v3  }
0x142: {  	[tilespmem:s19], [sflag:$0x1] =	stream.indirect_vreg.gather [hbm4b:s4+s3], $0x80, v4, vm0, $0xb8;
	[tilespmem:$0xC180] =	vst v63  }
0x143: {  	s21 =	simm.s32 $0x4180  }
0x144: {  	[tilespmem:s21], [sflag:$0x1] =	stream.indirect_vreg.gather [hbm4b:s5+s3], $0x80, v4, vm0, $0xb8;
	[tilespmem:$0xC180] =	vst v63  }
0x145: {  	s28 =	simm.s32 $0x4980  }
0x146: {  	[tilespmem:s28], [sflag:$0x1] =	stream.indirect_vreg.gather [hbm4b:s2+s3], $0x80, v3, vm0, $0xb8;
	[tilespmem:$0xC180] =	vst v63  }
0x147: {  	s24 =	simm.s32 $0x5180  }
0x148: {  	[tilespmem:s24], [sflag:$0x1] =	stream.indirect_vreg.gather [hbm4b:s4+s3], $0x80, v3, vm0, $0xb8;
	[tilespmem:$0xC180] =	vst v63  }
0x149: {  	s30 =	simm.s32 $0x5980  }
0x14a: {  	[tilespmem:s30], [sflag:$0x1] =	stream.indirect_vreg.gather [hbm4b:s5+s3], $0x80, v3, vm0, $0xb8;
	[tilespmem:$0xC180] =	vst v63  }
0x14b: {  	_ =	swait.ge [sflag:s9], $0x6000  }
0x14c: {  	[sflag:s9] =	ssyncset.done $0x0  }
0x14d: {  	s31 =	rddreg [dreg:$0x9];
	[sflag:s9] =	ssyncadd.s32 $0xFFFFA000  }
0x14e: {  	[hbm4b:s31+s3] =	stream.linear.scatter [tilespmem:s20], [sflag:$0x3], $0x6000, $0x38;
	[tilespmem:$0xC180] =	vst v63  }
0x14f: {  	_ =	swait.ge [sflag:s7], $0x6000  }
0x150: {  	[sflag:s7] =	ssyncset.done $0x0  }
0x151: {  	[sflag:s7] =	ssyncadd.s32 $0xFFFFA000  }
0x152: {  	v3 =	vld [tilespmem:$0xE0];
	_ =	sdelay $0x4  }
0x153: {  	v54 =	vshrl.u32 v3, $0x3  }
0x154: {  	v4 =	vmul.u32 $0x30, v54  }
0x155: {  	v3 =	vand.u32 $0x7, v3  }
0x156: {  	v3 =	vor.u32 v3, v4  }
0x157: {  	v4 =	vperm.xlane v3, v0;
	_ =	sdelay $0x1  }
0x158: {  	v4 =	vadd.s32 v1, v4;
	_ =	sdelay $0x3  }
0x159: {  	v3 =	vperm.xlane v3, v2  }
0x15a: {  	[tilespmem:s20], [sflag:$0x2] =	stream.indirect_vreg.gather [hbm4b:s2+s3], $0x80, v4, vm0, $0xb8;
	[tilespmem:$0xC180] =	vst v63  }
0x15b: {  	s14 =	simm.s32 $0x6980;
	v3 =	vadd.s32 v1, v3  }
0x15c: {  	[tilespmem:s14], [sflag:$0x2] =	stream.indirect_vreg.gather [hbm4b:s4+s3], $0x80, v4, vm0, $0xb8;
	[tilespmem:$0xC180] =	vst v63  }
0x15d: {  	s29 =	simm.s32 $0x7180  }
0x15e: {  	[tilespmem:s29], [sflag:$0x2] =	stream.indirect_vreg.gather [hbm4b:s5+s3], $0x80, v4, vm0, $0xb8;
	[tilespmem:$0xC180] =	vst v63  }
0x15f: {  	s22 =	simm.s32 $0x7980  }
0x160: {  	[tilespmem:s22], [sflag:$0x2] =	stream.indirect_vreg.gather [hbm4b:s2+s3], $0x80, v3, vm0, $0xb8;
	[tilespmem:$0xC180] =	vst v63  }
0x161: {  	s8 =	simm.s32 $0x8180  }
0x162: {  	[tilespmem:s8], [sflag:$0x2] =	stream.indirect_vreg.gather [hbm4b:s4+s3], $0x80, v3, vm0, $0xb8;
	[tilespmem:$0xC180] =	vst v63  }
0x163: {  	s1 =	simm.s32 $0x8980  }
0x164: {  	[tilespmem:s1], [sflag:$0x2] =	stream.indirect_vreg.gather [hbm4b:s5+s3], $0x80, v3, vm0, $0xb8;
	[tilespmem:$0xC180] =	vst v63  }
0x165: {  	v3 =	vld [tilespmem:$0xF0];
	_ =	sdelay $0x4  }
0x166: {  	v55 =	vshrl.u32 v3, $0x3  }
0x167: {  	v4 =	vmul.u32 $0x30, v55  }
0x168: {  	v3 =	vand.u32 $0x7, v3  }
0x169: {  	v3 =	vor.u32 v3, v4  }
0x16a: {  	v4 =	vperm.xlane v3, v0;
	_ =	sdelay $0x1  }
0x16b: {  	v4 =	vadd.s32 v1, v4;
	_ =	sdelay $0x3  }
0x16c: {  	s15 =	simm.s32 $0x9180;
	v3 =	vperm.xlane v3, v2  }
0x16d: {  	[tilespmem:s15], [sflag:$0x2] =	stream.indirect_vreg.gather [hbm4b:s2+s3], $0x80, v4, vm0, $0xb8;
	[tilespmem:$0xC180] =	vst v63  }
0x16e: {  	s25 =	simm.s32 $0x9980;
	v3 =	vadd.s32 v1, v3  }
0x16f: {  	[tilespmem:s25], [sflag:$0x2] =	stream.indirect_vreg.gather [hbm4b:s4+s3], $0x80, v4, vm0, $0xb8;
	[tilespmem:$0xC180] =	vst v63  }
0x170: {  	s26 =	simm.s32 $0xA180  }
0x171: {  	[tilespmem:s26], [sflag:$0x2] =	stream.indirect_vreg.gather [hbm4b:s5+s3], $0x80, v4, vm0, $0xb8;
	[tilespmem:$0xC180] =	vst v63  }
0x172: {  	s13 =	simm.s32 $0xA980  }
0x173: {  	[tilespmem:s13], [sflag:$0x2] =	stream.indirect_vreg.gather [hbm4b:s2+s3], $0x80, v3, vm0, $0xb8;
	[tilespmem:$0xC180] =	vst v63  }
0x174: {  	s12 =	simm.s32 $0xB180  }
0x175: {  	[tilespmem:s12], [sflag:$0x2] =	stream.indirect_vreg.gather [hbm4b:s4+s3], $0x80, v3, vm0, $0xb8;
	[tilespmem:$0xC180] =	vst v63  }
0x176: {  	s11 =	simm.s32 $0xB980  }
0x177: {  	[tilespmem:s11], [sflag:$0x2] =	stream.indirect_vreg.gather [hbm4b:s5+s3], $0x80, v3, vm0, $0xb8;
	[tilespmem:$0xC180] =	vst v63  }
0x178: {  	_ =	swait.ge [sflag:s0], $0x6000  }
0x179: {  	[sflag:s0] =	ssyncset.done $0x0  }
0x17a: {  	s11 =	rddreg [dreg:$0xa];
	[sflag:s0] =	ssyncadd.s32 $0xFFFFA000  }
0x17b: {  	[hbm4b:s11+s3] =	stream.linear.scatter [tilespmem:s23], [sflag:$0x3], $0x6000, $0x38;
	[tilespmem:$0xC180] =	vst v63  }
0x17c: {  	_ =	swait.ge [sflag:s7], $0x6000  }
0x17d: {  	[sflag:s7] =	ssyncset.done $0x0  }
0x17e: {  	[sflag:s7] =	ssyncadd.s32 $0xFFFFA000  }
0x17f: {  	v3 =	vld [tilespmem:$0x100];
	_ =	sdelay $0x4  }
0x180: {  	v56 =	vshrl.u32 v3, $0x3  }
0x181: {  	v4 =	vmul.u32 $0x30, v56  }
0x182: {  	v3 =	vand.u32 $0x7, v3  }
0x183: {  	v3 =	vor.u32 v3, v4  }
0x184: {  	v4 =	vperm.xlane v3, v0;
	_ =	sdelay $0x1  }
0x185: {  	v4 =	vadd.s32 v1, v4;
	_ =	sdelay $0x3  }
0x186: {  	v3 =	vperm.xlane v3, v2  }
0x187: {  	[tilespmem:s23], [sflag:$0x1] =	stream.indirect_vreg.gather [hbm4b:s2+s3], $0x80, v4, vm0, $0xb8;
	[tilespmem:$0xC180] =	vst v63  }
0x188: {  	s12 =	simm.s32 $0x980;
	v3 =	vadd.s32 v1, v3  }
0x189: {  	[tilespmem:s12], [sflag:$0x1] =	stream.indirect_vreg.gather [hbm4b:s4+s3], $0x80, v4, vm0, $0xb8;
	[tilespmem:$0xC180] =	vst v63  }
0x18a: {  	s22 =	simm.s32 $0x1180  }
0x18b: {  	[tilespmem:s22], [sflag:$0x1] =	stream.indirect_vreg.gather [hbm4b:s5+s3], $0x80, v4, vm0, $0xb8;
	[tilespmem:$0xC180] =	vst v63  }
0x18c: {  	s25 =	simm.s32 $0x1980  }
0x18d: {  	[tilespmem:s25], [sflag:$0x1] =	stream.indirect_vreg.gather [hbm4b:s2+s3], $0x80, v3, vm0, $0xb8;
	[tilespmem:$0xC180] =	vst v63  }
0x18e: {  	s26 =	simm.s32 $0x2180  }
0x18f: {  	[tilespmem:s26], [sflag:$0x1] =	stream.indirect_vreg.gather [hbm4b:s4+s3], $0x80, v3, vm0, $0xb8;
	[tilespmem:$0xC180] =	vst v63  }
0x190: {  	s17 =	simm.s32 $0x2980  }
0x191: {  	[tilespmem:s17], [sflag:$0x1] =	stream.indirect_vreg.gather [hbm4b:s5+s3], $0x80, v3, vm0, $0xb8;
	[tilespmem:$0xC180] =	vst v63  }
0x192: {  	v3 =	vld [tilespmem:$0x110];
	_ =	sdelay $0x4  }
0x193: {  	v57 =	vshrl.u32 v3, $0x3  }
0x194: {  	v4 =	vmul.u32 $0x30, v57  }
0x195: {  	v3 =	vand.u32 $0x7, v3  }
0x196: {  	v3 =	vor.u32 v3, v4  }
0x197: {  	v4 =	vperm.xlane v3, v0;
	_ =	sdelay $0x1  }
0x198: {  	v4 =	vadd.s32 v1, v4;
	_ =	sdelay $0x3  }
0x199: {  	s18 =	simm.s32 $0x3180;
	v3 =	vperm.xlane v3, v2  }
0x19a: {  	[tilespmem:s18], [sflag:$0x1] =	stream.indirect_vreg.gather [hbm4b:s2+s3], $0x80, v4, vm0, $0xb8;
	[tilespmem:$0xC180] =	vst v63  }
0x19b: {  	s19 =	simm.s32 $0x3980;
	v3 =	vadd.s32 v1, v3  }
0x19c: {  	[tilespmem:s19], [sflag:$0x1] =	stream.indirect_vreg.gather [hbm4b:s4+s3], $0x80, v4, vm0, $0xb8;
	[tilespmem:$0xC180] =	vst v63  }
0x19d: {  	s21 =	simm.s32 $0x4180  }
0x19e: {  	[tilespmem:s21], [sflag:$0x1] =	stream.indirect_vreg.gather [hbm4b:s5+s3], $0x80, v4, vm0, $0xb8;
	[tilespmem:$0xC180] =	vst v63  }
0x19f: {  	s11 =	simm.s32 $0x4980  }
0x1a0: {  	[tilespmem:s11], [sflag:$0x1] =	stream.indirect_vreg.gather [hbm4b:s2+s3], $0x80, v3, vm0, $0xb8;
	[tilespmem:$0xC180] =	vst v63  }
0x1a1: {  	s24 =	simm.s32 $0x5180  }
0x1a2: {  	[tilespmem:s24], [sflag:$0x1] =	stream.indirect_vreg.gather [hbm4b:s4+s3], $0x80, v3, vm0, $0xb8;
	[tilespmem:$0xC180] =	vst v63  }
0x1a3: {  	s30 =	simm.s32 $0x5980  }
0x1a4: {  	[tilespmem:s30], [sflag:$0x1] =	stream.indirect_vreg.gather [hbm4b:s5+s3], $0x80, v3, vm0, $0xb8;
	[tilespmem:$0xC180] =	vst v63  }
0x1a5: {  	_ =	swait.ge [sflag:s9], $0x6000  }
0x1a6: {  	[sflag:s9] =	ssyncset.done $0x0  }
0x1a7: {  	s12 =	rddreg [dreg:$0xb];
	[sflag:s9] =	ssyncadd.s32 $0xFFFFA000  }
0x1a8: {  	[hbm4b:s12+s3] =	stream.linear.scatter [tilespmem:s20], [sflag:$0x3], $0x6000, $0x38;
	[tilespmem:$0xC180] =	vst v63  }
0x1a9: {  	_ =	swait.ge [sflag:s7], $0x6000  }
0x1aa: {  	[sflag:s7] =	ssyncset.done $0x0  }
0x1ab: {  	[sflag:s7] =	ssyncadd.s32 $0xFFFFA000  }
0x1ac: {  	v3 =	vld [tilespmem:$0x120];
	_ =	sdelay $0x4  }
0x1ad: {  	v58 =	vshrl.u32 v3, $0x3  }
0x1ae: {  	v4 =	vmul.u32 $0x30, v58  }
0x1af: {  	v3 =	vand.u32 $0x7, v3  }
0x1b0: {  	v3 =	vor.u32 v3, v4  }
0x1b1: {  	v4 =	vperm.xlane v3, v0;
	_ =	sdelay $0x1  }
0x1b2: {  	v4 =	vadd.s32 v1, v4;
	_ =	sdelay $0x3  }
0x1b3: {  	v3 =	vperm.xlane v3, v2  }
0x1b4: {  	[tilespmem:s20], [sflag:$0x2] =	stream.indirect_vreg.gather [hbm4b:s2+s3], $0x80, v4, vm0, $0xb8;
	[tilespmem:$0xC180] =	vst v63  }
0x1b5: {  	s14 =	simm.s32 $0x6980;
	v3 =	vadd.s32 v1, v3  }
0x1b6: {  	[tilespmem:s14], [sflag:$0x2] =	stream.indirect_vreg.gather [hbm4b:s4+s3], $0x80, v4, vm0, $0xb8;
	[tilespmem:$0xC180] =	vst v63  }
0x1b7: {  	s31 =	simm.s32 $0x7180  }
0x1b8: {  	[tilespmem:s31], [sflag:$0x2] =	stream.indirect_vreg.gather [hbm4b:s5+s3], $0x80, v4, vm0, $0xb8;
	[tilespmem:$0xC180] =	vst v63  }
0x1b9: {  	s28 =	simm.s32 $0x7980  }
0x1ba: {  	[tilespmem:s28], [sflag:$0x2] =	stream.indirect_vreg.gather [hbm4b:s2+s3], $0x80, v3, vm0, $0xb8;
	[tilespmem:$0xC180] =	vst v63  }
0x1bb: {  	s8 =	simm.s32 $0x8180  }
0x1bc: {  	[tilespmem:s8], [sflag:$0x2] =	stream.indirect_vreg.gather [hbm4b:s4+s3], $0x80, v3, vm0, $0xb8;
	[tilespmem:$0xC180] =	vst v63  }
0x1bd: {  	s1 =	simm.s32 $0x8980  }
0x1be: {  	[tilespmem:s1], [sflag:$0x2] =	stream.indirect_vreg.gather [hbm4b:s5+s3], $0x80, v3, vm0, $0xb8;
	[tilespmem:$0xC180] =	vst v63  }
0x1bf: {  	v3 =	vld [tilespmem:$0x130];
	_ =	sdelay $0x4  }
0x1c0: {  	v59 =	vshrl.u32 v3, $0x3  }
0x1c1: {  	v4 =	vmul.u32 $0x30, v59  }
0x1c2: {  	v3 =	vand.u32 $0x7, v3  }
0x1c3: {  	v3 =	vor.u32 v3, v4  }
0x1c4: {  	v4 =	vperm.xlane v3, v0;
	_ =	sdelay $0x1  }
0x1c5: {  	v4 =	vadd.s32 v1, v4;
	_ =	sdelay $0x3  }
0x1c6: {  	s29 =	simm.s32 $0x9180;
	v3 =	vperm.xlane v3, v2  }
0x1c7: {  	[tilespmem:s29], [sflag:$0x2] =	stream.indirect_vreg.gather [hbm4b:s2+s3], $0x80, v4, vm0, $0xb8;
	[tilespmem:$0xC180] =	vst v63  }
0x1c8: {  	s16 =	simm.s32 $0x9980;
	v3 =	vadd.s32 v1, v3  }
0x1c9: {  	[tilespmem:s16], [sflag:$0x2] =	stream.indirect_vreg.gather [hbm4b:s4+s3], $0x80, v4, vm0, $0xb8;
	[tilespmem:$0xC180] =	vst v63  }
0x1ca: {  	s16 =	simm.s32 $0xA180  }
0x1cb: {  	[tilespmem:s16], [sflag:$0x2] =	stream.indirect_vreg.gather [hbm4b:s5+s3], $0x80, v4, vm0, $0xb8;
	[tilespmem:$0xC180] =	vst v63  }
0x1cc: {  	s13 =	simm.s32 $0xA980  }
0x1cd: {  	[tilespmem:s13], [sflag:$0x2] =	stream.indirect_vreg.gather [hbm4b:s2+s3], $0x80, v3, vm0, $0xb8;
	[tilespmem:$0xC180] =	vst v63  }
0x1ce: {  	s29 =	simm.s32 $0xB180  }
0x1cf: {  	[tilespmem:s29], [sflag:$0x2] =	stream.indirect_vreg.gather [hbm4b:s4+s3], $0x80, v3, vm0, $0xb8;
	[tilespmem:$0xC180] =	vst v63  }
0x1d0: {  	s15 =	simm.s32 $0xB980  }
0x1d1: {  	[tilespmem:s15], [sflag:$0x2] =	stream.indirect_vreg.gather [hbm4b:s5+s3], $0x80, v3, vm0, $0xb8;
	[tilespmem:$0xC180] =	vst v63  }
0x1d2: {  	_ =	swait.ge [sflag:s0], $0x6000  }
0x1d3: {  	[sflag:s0] =	ssyncset.done $0x0  }
0x1d4: {  	s31 =	rddreg [dreg:$0xc];
	[sflag:s0] =	ssyncadd.s32 $0xFFFFA000  }
0x1d5: {  	[hbm4b:s31+s3] =	stream.linear.scatter [tilespmem:s23], [sflag:$0x3], $0x6000, $0x38;
	[tilespmem:$0xC180] =	vst v63  }
0x1d6: {  	_ =	swait.ge [sflag:s7], $0x6000  }
0x1d7: {  	[sflag:s7] =	ssyncset.done $0x0  }
0x1d8: {  	[sflag:s7] =	ssyncadd.s32 $0xFFFFA000  }
0x1d9: {  	v3 =	vld [tilespmem:$0x140];
	_ =	sdelay $0x4  }
0x1da: {  	v60 =	vshrl.u32 v3, $0x3  }
0x1db: {  	v4 =	vmul.u32 $0x30, v60  }
0x1dc: {  	v3 =	vand.u32 $0x7, v3  }
0x1dd: {  	v3 =	vor.u32 v3, v4  }
0x1de: {  	v4 =	vperm.xlane v3, v0;
	_ =	sdelay $0x1  }
0x1df: {  	v4 =	vadd.s32 v1, v4;
	_ =	sdelay $0x3  }
0x1e0: {  	v3 =	vperm.xlane v3, v2  }
0x1e1: {  	[tilespmem:s23], [sflag:$0x1] =	stream.indirect_vreg.gather [hbm4b:s2+s3], $0x80, v4, vm0, $0xb8;
	[tilespmem:$0xC180] =	vst v63  }
0x1e2: {  	s15 =	simm.s32 $0x980;
	v3 =	vadd.s32 v1, v3  }
0x1e3: {  	[tilespmem:s15], [sflag:$0x1] =	stream.indirect_vreg.gather [hbm4b:s4+s3], $0x80, v4, vm0, $0xb8;
	[tilespmem:$0xC180] =	vst v63  }
0x1e4: {  	s31 =	simm.s32 $0x1180  }
0x1e5: {  	[tilespmem:s31], [sflag:$0x1] =	stream.indirect_vreg.gather [hbm4b:s5+s3], $0x80, v4, vm0, $0xb8;
	[tilespmem:$0xC180] =	vst v63  }
0x1e6: {  	s15 =	simm.s32 $0x1980  }
0x1e7: {  	[tilespmem:s15], [sflag:$0x1] =	stream.indirect_vreg.gather [hbm4b:s2+s3], $0x80, v3, vm0, $0xb8;
	[tilespmem:$0xC180] =	vst v63  }
0x1e8: {  	s26 =	simm.s32 $0x2180  }
0x1e9: {  	[tilespmem:s26], [sflag:$0x1] =	stream.indirect_vreg.gather [hbm4b:s4+s3], $0x80, v3, vm0, $0xb8;
	[tilespmem:$0xC180] =	vst v63  }
0x1ea: {  	s17 =	simm.s32 $0x2980  }
0x1eb: {  	[tilespmem:s17], [sflag:$0x1] =	stream.indirect_vreg.gather [hbm4b:s5+s3], $0x80, v3, vm0, $0xb8;
	[tilespmem:$0xC180] =	vst v63  }
0x1ec: {  	v3 =	vld [tilespmem:$0x150];
	_ =	sdelay $0x4  }
0x1ed: {  	v61 =	vshrl.u32 v3, $0x3  }
0x1ee: {  	v4 =	vmul.u32 $0x30, v61  }
0x1ef: {  	v3 =	vand.u32 $0x7, v3  }
0x1f0: {  	v3 =	vor.u32 v3, v4  }
0x1f1: {  	v4 =	vperm.xlane v3, v0;
	_ =	sdelay $0x1  }
0x1f2: {  	v4 =	vadd.s32 v1, v4;
	_ =	sdelay $0x3  }
0x1f3: {  	s18 =	simm.s32 $0x3180;
	v3 =	vperm.xlane v3, v2  }
0x1f4: {  	[tilespmem:s18], [sflag:$0x1] =	stream.indirect_vreg.gather [hbm4b:s2+s3], $0x80, v4, vm0, $0xb8;
	[tilespmem:$0xC180] =	vst v63  }
0x1f5: {  	s19 =	simm.s32 $0x3980;
	v3 =	vadd.s32 v1, v3  }
0x1f6: {  	[tilespmem:s19], [sflag:$0x1] =	stream.indirect_vreg.gather [hbm4b:s4+s3], $0x80, v4, vm0, $0xb8;
	[tilespmem:$0xC180] =	vst v63  }
0x1f7: {  	s21 =	simm.s32 $0x4180  }
0x1f8: {  	[tilespmem:s21], [sflag:$0x1] =	stream.indirect_vreg.gather [hbm4b:s5+s3], $0x80, v4, vm0, $0xb8;
	[tilespmem:$0xC180] =	vst v63  }
0x1f9: {  	s21 =	simm.s32 $0x4980  }
0x1fa: {  	[tilespmem:s21], [sflag:$0x1] =	stream.indirect_vreg.gather [hbm4b:s2+s3], $0x80, v3, vm0, $0xb8;
	[tilespmem:$0xC180] =	vst v63  }
0x1fb: {  	s22 =	simm.s32 $0x5180  }
0x1fc: {  	[tilespmem:s22], [sflag:$0x1] =	stream.indirect_vreg.gather [hbm4b:s4+s3], $0x80, v3, vm0, $0xb8;
	[tilespmem:$0xC180] =	vst v63  }
0x1fd: {  	s25 =	simm.s32 $0x5980  }
0x1fe: {  	[tilespmem:s25], [sflag:$0x1] =	stream.indirect_vreg.gather [hbm4b:s5+s3], $0x80, v3, vm0, $0xb8;
	[tilespmem:$0xC180] =	vst v63  }
0x1ff: {  	_ =	swait.ge [sflag:s9], $0x6000  }
0x200: {  	[sflag:s9] =	ssyncset.done $0x0  }
0x201: {  	s26 =	rddreg [dreg:$0xd];
	[sflag:s9] =	ssyncadd.s32 $0xFFFFA000  }
0x202: {  	[hbm4b:s26+s3] =	stream.linear.scatter [tilespmem:s20], [sflag:$0x3], $0x6000, $0x38;
	[tilespmem:$0xC180] =	vst v63  }
0x203: {  	_ =	swait.ge [sflag:s7], $0x6000  }
0x204: {  	[sflag:s7] =	ssyncset.done $0x0  }
0x205: {  	[sflag:s7] =	ssyncadd.s32 $0xFFFFA000  }
0x206: {  	v3 =	vld [tilespmem:$0x160];
	_ =	sdelay $0x4  }
0x207: {  	v62 =	vshrl.u32 v3, $0x3  }
0x208: {  	v4 =	vmul.u32 $0x30, v62  }
0x209: {  	v3 =	vand.u32 $0x7, v3  }
0x20a: {  	v3 =	vor.u32 v3, v4  }
0x20b: {  	v4 =	vperm.xlane v3, v0;
	_ =	sdelay $0x1  }
0x20c: {  	v4 =	vadd.s32 v1, v4;
	_ =	sdelay $0x3  }
0x20d: {  	v3 =	vperm.xlane v3, v2  }
0x20e: {  	[tilespmem:s20], [sflag:$0x2] =	stream.indirect_vreg.gather [hbm4b:s2+s3], $0x80, v4, vm0, $0xb8;
	[tilespmem:$0xC180] =	vst v63  }
0x20f: {  	s11 =	simm.s32 $0x6980;
	v3 =	vadd.s32 v1, v3  }
0x210: {  	[tilespmem:s11], [sflag:$0x2] =	stream.indirect_vreg.gather [hbm4b:s4+s3], $0x80, v4, vm0, $0xb8;
	[tilespmem:$0xC180] =	vst v63  }
0x211: {  	s30 =	simm.s32 $0x7180  }
0x212: {  	[tilespmem:s30], [sflag:$0x2] =	stream.indirect_vreg.gather [hbm4b:s5+s3], $0x80, v4, vm0, $0xb8;
	[tilespmem:$0xC180] =	vst v63  }
0x213: {  	s24 =	simm.s32 $0x7980  }
0x214: {  	[tilespmem:s24], [sflag:$0x2] =	stream.indirect_vreg.gather [hbm4b:s2+s3], $0x80, v3, vm0, $0xb8;
	[tilespmem:$0xC180] =	vst v63  }
0x215: {  	s12 =	simm.s32 $0x8180  }
0x216: {  	[tilespmem:s12], [sflag:$0x2] =	stream.indirect_vreg.gather [hbm4b:s4+s3], $0x80, v3, vm0, $0xb8;
	[tilespmem:$0xC180] =	vst v63  }
0x217: {  	s8 =	simm.s32 $0x8980  }
0x218: {  	[tilespmem:s8], [sflag:$0x2] =	stream.indirect_vreg.gather [hbm4b:s5+s3], $0x80, v3, vm0, $0xb8;
	[tilespmem:$0xC180] =	vst v63  }
0x219: {  	v3 =	vld [tilespmem:$0x170];
	_ =	sdelay $0x4  }
0x21a: {  	v63 =	vshrl.u32 v3, $0x3  }
0x21b: {  	v4 =	vmul.u32 $0x30, v63  }
0x21c: {  	v3 =	vand.u32 $0x7, v3  }
0x21d: {  	v3 =	vor.u32 v3, v4  }
0x21e: {  	v4 =	vperm.xlane v3, v0;
	_ =	sdelay $0x1  }
0x21f: {  	v4 =	vadd.s32 v1, v4;
	_ =	sdelay $0x3  }
0x220: {  	s28 =	simm.s32 $0x9180;
	v3 =	vperm.xlane v3, v2  }
0x221: {  	[tilespmem:s28], [sflag:$0x2] =	stream.indirect_vreg.gather [hbm4b:s2+s3], $0x80, v4, vm0, $0xb8;
	[tilespmem:$0xC180] =	vst v63  }
0x222: {  	s14 =	simm.s32 $0x9980;
	v3 =	vadd.s32 v1, v3  }
0x223: {  	[tilespmem:s14], [sflag:$0x2] =	stream.indirect_vreg.gather [hbm4b:s4+s3], $0x80, v4, vm0, $0xb8;
	[tilespmem:$0xC180] =	vst v63  }
0x224: {  	s16 =	simm.s32 $0xA180  }
0x225: {  	[tilespmem:s16], [sflag:$0x2] =	stream.indirect_vreg.gather [hbm4b:s5+s3], $0x80, v4, vm0, $0xb8;
	[tilespmem:$0xC180] =	vst v63  }
0x226: {  	s1 =	simm.s32 $0xA980  }
0x227: {  	[tilespmem:s1], [sflag:$0x2] =	stream.indirect_vreg.gather [hbm4b:s2+s3], $0x80, v3, vm0, $0xb8;
	[tilespmem:$0xC180] =	vst v63  }
0x228: {  	s29 =	simm.s32 $0xB180  }
0x229: {  	[tilespmem:s29], [sflag:$0x2] =	stream.indirect_vreg.gather [hbm4b:s4+s3], $0x80, v3, vm0, $0xb8;
	[tilespmem:$0xC180] =	vst v63  }
0x22a: {  	s13 =	simm.s32 $0xB980  }
0x22b: {  	[tilespmem:s13], [sflag:$0x2] =	stream.indirect_vreg.gather [hbm4b:s5+s3], $0x80, v3, vm0, $0xb8;
	[tilespmem:$0xC180] =	vst v63  }
0x22c: {  	_ =	swait.ge [sflag:s0], $0x6000  }
0x22d: {  	[sflag:s0] =	ssyncset.done $0x0  }
0x22e: {  	s30 =	rddreg [dreg:$0xe];
	[sflag:s0] =	ssyncadd.s32 $0xFFFFA000  }
0x22f: {  	[hbm4b:s30+s3] =	stream.linear.scatter [tilespmem:s23], [sflag:$0x3], $0x6000, $0x38;
	[tilespmem:$0xC180] =	vst v63  }
0x230: {  	_ =	swait.ge [sflag:s7], $0x6000  }
0x231: {  	[sflag:s7] =	ssyncset.done $0x0  }
0x232: {  	[sflag:s7] =	ssyncadd.s32 $0xFFFFA000  }
0x233: {  	_ =	swait.ge [sflag:s9], $0x6000  }
0x234: {  	p0 =	sne.s32 s6, $0x1;
	[sflag:s9] =	ssyncset.done $0x0  }
.Ltmp0:
0x235: {  	s31 =	rddreg [dreg:$0xf];
	[sflag:s9] =	ssyncadd.s32 $0xFFFFA000;
	(pc) =	sbr.rel @p0 .LBB2_1-.Ltmp0, $4  }
0x236: {  	[hbm4b:s31+s3] =	stream.linear.scatter [tilespmem:s20], [sflag:$0x3], $0x6000, $0x38;
	[tilespmem:$0xC180] =	vst v63  }
0x237: {  	_ =	swait.ge [sflag:s7], $0x6000  }
0x238: {  	[sflag:s7] =	ssyncset.done $0x0  }
0x239: {  	s6 =	sadd.s32 $0xFFFFFFFF, s6;
	[sflag:s7] =	ssyncadd.s32 $0xFFFFA000  }
0x23a: {  	_ =	sfence.sel $0x180000  }
0x23b: {  	[bflag:$0x0] =	sbarrier.arrive $0xFFFF  }
0x23c: {  	_ =	strace $0x90000047  }
0x23d: {  	s0 =	stileid.u32;
	[bflag:$0x2] =	sbarrier.arrive $0xFFFF  }
0x23e: {  	p0 =	sne.s32 s0, $0x0;
	s0 =	rddreg [dreg:$0x2]  }
0x23f: {  	s0 =	sadd.s32 @!p0 $0x100000, s0  }
0x240: {  	[sflag:s0] =	ssyncadd.tile.s32 @!p0 $0x1;
	_ =	shalt  }
.Lfunc_end2:
_tile_overlayer_lowered:
.L_overlay_start_2:
0x241: {  	(tag) =	ssettag $0x2  }
0x242: {  	s0 =	rddreg [dreg:$0x0];
	s2 =	stileid.u32  }
0x243: {  	s1 =	rddreg [dreg:$0x1];
	p0 =	sne.s32 s2, $0x0  }
0x244: {  	s3 =	rddreg [dreg:$0x2];
	[bflag:$0x3] =	sbarrier.arrive $0xFFFF;
	s2 =	simm.s32 @!p0 $0x1C03  }
0x245: {  	[timem:s3], [sflag:s2] =	dma.local @!p0 [hbm:s0], s1  }
0x246: {  	s0 =	simm.s32 @!p0 $0x3  }
0x247: {  	_ =	swait.ge @!p0 [sflag:s0], s1  }
0x248: {  	s1 =	ssub.s32 @!p0 $0x0, s1;
	[sflag:s0] =	ssyncset.done @!p0 $0x0  }
0x249: {  	[sflag:s0] =	ssyncadd.s32 @!p0 s1  }
0x24a: {  	[bflag:$0x3] =	sbarrier.arrive $0xFFFF  }
0x24b: {  	_ =	shalt  }

</sc_bundles>
